<compile_context>
chip_gen: v7x
topology: tpu7x:2x2x1
jax: 0.10.2.dev20260603
libtpu: 0.0.44.dev20260713+nightly
codegen_flags: <defaults>
</compile_context>

<pallas_src>
import functools

import jax
import jax.numpy as jnp
from jax import lax
from jax.experimental import pallas as pl
from jax.experimental.pallas import tpu as pltpu
from jax.experimental.pallas import tpu_sc as plsc


def _tc_precompute_body(af_ref, w1_ref, b1_ref, w2_ref, b2_ref, wp_ref, p_ref):
    x = af_ref[...]
    xb = x.astype(jnp.bfloat16)
    t = jnp.dot(xb, w1_ref[...], preferred_element_type=jnp.float32) + b1_ref[...]
    t = t * (1.0 / (1.0 + jnp.exp(-t)))
    w = jnp.dot(t.astype(jnp.bfloat16), w2_ref[...],
                preferred_element_type=jnp.float32) + b2_ref[...]
    s = jax.nn.softmax(w, axis=-1)
    d = x.shape[1]
    h_cnt = w.shape[1]
    y = jnp.dot(xb, wp_ref[...], preferred_element_type=jnp.float32)
    acc = s[:, 0:1] * y[:, :d]
    for h in range(1, h_cnt):
        acc = acc + s[:, h:h + 1] * y[:, h * d:(h + 1) * d]
    p_ref[...] = acc


def _tc_precompute(af, W1, b1, W2, b2, Wp, blk):
    n, d = af.shape
    hid = W1.shape[1]
    h = W2.shape[1]
    grid = n // blk
    return pl.pallas_call(
        _tc_precompute_body,
        grid=(grid,),
        in_specs=[
            pl.BlockSpec((blk, d), lambda i: (i, 0)),
            pl.BlockSpec((d, hid), lambda i: (0, 0)),
            pl.BlockSpec((1, hid), lambda i: (0, 0)),
            pl.BlockSpec((hid, h), lambda i: (0, 0)),
            pl.BlockSpec((1, h), lambda i: (0, 0)),
            pl.BlockSpec((d, h * d), lambda i: (0, 0)),
        ],
        out_specs=pl.BlockSpec((blk, d), lambda i: (i, 0)),
        out_shape=jax.ShapeDtypeStruct((n, d), jnp.float32),
    )(af, W1.astype(jnp.bfloat16), b1.reshape(1, hid),
      W2.astype(jnp.bfloat16), b2.reshape(1, h),
      Wp.reshape(h, d, d).transpose(1, 0, 2).reshape(d, h * d)
      .astype(jnp.bfloat16))


def _sc_pool(p, idx, bp):
    n, d = p.shape
    b, a = idx.shape
    nchunk = d // 16
    info = plsc.get_sparse_core_info()
    nc, ns = info.num_cores, info.num_subcores
    nw = nc * ns
    cb = b // nw
    mesh = plsc.VectorSubcoreMesh(core_axis_name="c", subcore_axis_name="s")

    @functools.partial(
        pl.kernel,
        mesh=mesh,
        out_type=jax.ShapeDtypeStruct((b, d), jnp.float32),
        scratch_types=[
            pltpu.VMEM((cb, a), jnp.int32),
            pltpu.VMEM((4, a, d), jnp.float32),
            pltpu.VMEM((d,), jnp.float32),
            pltpu.VMEM((cb, d), jnp.float32),
            pltpu.SemaphoreType.DMA,
            pltpu.SemaphoreType.DMA,
            pltpu.SemaphoreType.DMA,
            pltpu.SemaphoreType.DMA,
        ],
    )
    def k(p_hbm, idx_hbm, bp_hbm, out_hbm, idx_v, rows_v, bp_v, out_v,
          sem0, sem1, sem2, sem3):
        wid = lax.axis_index("s") * nc + lax.axis_index("c")
        base = wid * cb
        pltpu.sync_copy(idx_hbm.at[pl.ds(base, cb), :], idx_v)
        pltpu.sync_copy(bp_hbm, bp_v)
        sems = (sem0, sem1, sem2, sem3)

        def start(j, buf):
            pltpu.make_async_copy(p_hbm.at[idx_v.at[j]], rows_v.at[buf],
                                  sems[buf]).start()

        def process(j, buf):
            pltpu.make_async_copy(p_hbm.at[idx_v.at[j]], rows_v.at[buf],
                                  sems[buf]).wait()

            def red(ai, acc_in):
                return tuple(acc_in[c] + rows_v[buf, ai, pl.ds(c * 16, 16)]
                             for c in range(nchunk))

            accs = plsc.parallel_loop(
                0, a, unroll=16,
                carry=tuple(jnp.zeros((16,), jnp.float32)
                            for _ in range(nchunk)))(red)
            for c in range(nchunk):
                v = accs[c] + bp_v[pl.ds(c * 16, 16)]
                out_v[j, pl.ds(c * 16, 16)] = v * (1.0 / (1.0 + jnp.exp(-v)))

        nbuf = 4
        for i in range(nbuf):
            start(i, i)

        def body(jj, carry):
            for buf in range(nbuf):
                j = jj * nbuf + buf
                process(j, buf)

                @pl.when(j + nbuf < cb)
                def _():
                    start(j + nbuf, buf)
            return carry

        lax.fori_loop(0, cb // nbuf, body, 0)
        pltpu.sync_copy(out_v, out_hbm.at[pl.ds(base, cb), :])

    return k(p, idx, bp)


def kernel(atom_fea, crystal_atom_idx, W1, b1, W2, b2, Wp, bp):
    n = atom_fea.shape[0]
    blk = 4000 if n % 4000 == 0 else 8
    p = _tc_precompute(atom_fea, W1, b1, W2, b2, Wp, blk)
    return _sc_pool(p, crystal_atom_idx.astype(jnp.int32), bp)

# --- scband reference (transcript-rebuilt; emitter-appended) ---
"""Pipeline reference for scband-attention-readout-9929964388802 (READ-ONLY COPY).

The authoritative reference and input builder live on the scoring server;
editing this copy changes nothing except your own understanding.
"""

import jax, jax.numpy as jnp
import numpy as np

N = 100000
B = 1024
A = 96
D = 128
HID = 32
H = 4


def _silu(x):
    return x * jax.nn.sigmoid(x)


def setup_inputs(seed: int = 0) -> dict:
    key = jax.random.key(seed)
    ks = jax.random.split(key, 6)
    atom_fea = jax.random.normal(ks[0], (N, D), dtype=jnp.float32)
    crystal_atom_idx = jax.random.randint(ks[1], (B, A), 0, N, dtype=jnp.int64 if jax.config.jax_enable_x64 else jnp.int32).astype(jnp.int32)
    W1 = jax.random.normal(ks[2], (D, HID), dtype=jnp.float32) * (1.0 / np.sqrt(D))
    b1 = jnp.zeros((HID,), dtype=jnp.float32)
    W2 = jax.random.normal(ks[3], (HID, H), dtype=jnp.float32) * (1.0 / np.sqrt(HID))
    b2 = jnp.zeros((H,), dtype=jnp.float32)
    Wp = jax.random.normal(ks[4], (H * D, D), dtype=jnp.float32) * (1.0 / np.sqrt(H * D))
    bp = jnp.zeros((D,), dtype=jnp.float32)
    return {
        "atom_fea": atom_fea,
        "crystal_atom_idx": crystal_atom_idx,
        "W1": W1,
        "b1": b1,
        "W2": W2,
        "b2": b2,
        "Wp": Wp,
        "bp": bp,
    }


def reference(atom_fea, crystal_atom_idx, W1, b1, W2, b2, Wp, bp):
    # key MLP: Linear -> SiLU -> (Dropout eval=identity) -> Linear
    weights = _silu(atom_fea @ W1 + b1) @ W2 + b2  # [N, H]
    # Gather per-crystal atom features and attention logits
    caf = jnp.take(atom_fea, crystal_atom_idx, axis=0)      # [B, A, D]
    cwl = jnp.take(weights, crystal_atom_idx, axis=0)       # [B, A, H]
    # torch softmax dim=1 on per-crystal [A, H] -> softmax over head dim
    cw = jax.nn.softmax(cwl, axis=-1)                       # [B, A, H]
    # weighted_sum[h] = sum_a cw[:, a, h] * caf[:, a, :]
    ws = jnp.einsum('bah,bad->bhd', cw, caf)                # [B, H, D]
    flat = ws.reshape(ws.shape[0], H * D)                   # [B, H*D]
    # project: Linear -> SiLU -> (Dropout eval=identity)
    out = _silu(flat @ Wp + bp)                             # [B, D]
    return out

if __name__ == "__main__":
    import jax
    _d = setup_inputs()
    print(jax.jit(kernel)(*tuple(_d.values())))

</pallas_src>

<mosaic_0001>
#map = affine_map<(d0, d1) -> (0, 0)>
#map1 = affine_map<(d0, d1) -> (0)>
module attributes {stable_mosaic.version = 14 : i64} {
  func.func @k(%arg0: i32, %arg1: i32, %arg2: memref<100000x128xf32, #tpu.memory_space<hbm>>, %arg3: memref<1024x96xi32, #tpu.memory_space<hbm>>, %arg4: memref<128xf32, #tpu.memory_space<hbm>>, %arg5: memref<1024x128xf32, #tpu.memory_space<hbm>>, %arg6: memref<32x96xi32, #tpu.memory_space<vmem>>, %arg7: memref<4x96x128xf32, #tpu.memory_space<vmem>>, %arg8: memref<128xf32, #tpu.memory_space<vmem>>, %arg9: memref<32x128xf32, #tpu.memory_space<vmem>>, %arg10: memref<!tpu.dma_semaphore, #tpu.memory_space<semaphore_mem>>, %arg11: memref<!tpu.dma_semaphore, #tpu.memory_space<semaphore_mem>>, %arg12: memref<!tpu.dma_semaphore, #tpu.memory_space<semaphore_mem>>, %arg13: memref<!tpu.dma_semaphore, #tpu.memory_space<semaphore_mem>>) attributes {dimension_semantics = [#tpu.dimension_semantics<core_parallel>, #tpu.dimension_semantics<subcore_parallel>], iteration_bounds = array<i64: 2, 16>, scalar_prefetch = 0 : i64, scratch_operands = 8 : i64, tpu.core_type = #tpu.core_type<sc_vector_subcore>, window_params = [{transform_indices = #map}, {transform_indices = #map}, {transform_indices = #map1}, {transform_indices = #map}]} {
    %mul3A = arith.constant 2 : i32
    %mul3A_0 = arith.muli %arg1, %mul3A : i32
    %add3A = arith.addi %mul3A_0, %arg0 : i32
    %mul3A_1 = arith.constant 32 : i32
    %mul3A_2 = arith.muli %add3A, %mul3A_1 : i32
    "tpu.region"() ({
      %run_scoped3A = tpu.sem_alloc : memref<!tpu.dma_semaphore, #tpu.memory_space<semaphore_mem>>
      %dma_start3A_55 = arith.constant 0 : i32
      %dma_start3A_56 = tpu.memref_slice %arg3[%mul3A_2, %dma_start3A_55] : memref<1024x96xi32, #tpu.memory_space<hbm>> -> memref<32x96xi32, #tpu.memory_space<hbm>>
      %dma_start3A_57 = arith.constant 0 : i32
      %dma_start3A_58 = tpu.memref_slice %arg3[%mul3A_2, %dma_start3A_57] : memref<1024x96xi32, #tpu.memory_space<hbm>> -> memref<32x96xi32, #tpu.memory_space<hbm>>
      tpu.enqueue_dma source(%dma_start3A_58 : memref<32x96xi32, #tpu.memory_space<hbm>>) target(%arg6 : memref<32x96xi32, #tpu.memory_space<vmem>>) target_semaphore(%run_scoped3A : memref<!tpu.dma_semaphore, #tpu.memory_space<semaphore_mem>>)
      %dma_wait3A = arith.constant 0 : i32
      %dma_wait3A_59 = tpu.memref_slice %arg3[%mul3A_2, %dma_wait3A] : memref<1024x96xi32, #tpu.memory_space<hbm>> -> memref<32x96xi32, #tpu.memory_space<hbm>>
      %dma_wait3A_60 = arith.constant 0 : i32
      %dma_wait3A_61 = tpu.memref_slice %arg3[%mul3A_2, %dma_wait3A_60] : memref<1024x96xi32, #tpu.memory_space<hbm>> -> memref<32x96xi32, #tpu.memory_space<hbm>>
      tpu.wait_dma2 semaphore(%run_scoped3A : memref<!tpu.dma_semaphore, #tpu.memory_space<semaphore_mem>>) src(%dma_wait3A_61 : memref<32x96xi32, #tpu.memory_space<hbm>>) dst(%arg6 : memref<32x96xi32, #tpu.memory_space<vmem>>)
      tpu.yield
    }) : () -> ()
    "tpu.region"() ({
      %run_scoped3A = tpu.sem_alloc : memref<!tpu.dma_semaphore, #tpu.memory_space<semaphore_mem>>
      tpu.enqueue_dma source(%arg4 : memref<128xf32, #tpu.memory_space<hbm>>) target(%arg8 : memref<128xf32, #tpu.memory_space<vmem>>) target_semaphore(%run_scoped3A : memref<!tpu.dma_semaphore, #tpu.memory_space<semaphore_mem>>)
      tpu.wait_dma2 semaphore(%run_scoped3A : memref<!tpu.dma_semaphore, #tpu.memory_space<semaphore_mem>>) src(%arg4 : memref<128xf32, #tpu.memory_space<hbm>>) dst(%arg8 : memref<128xf32, #tpu.memory_space<vmem>>)
      tpu.yield
    }) : () -> ()
    %dma_start3A = arith.constant 0 : i32
    %dma_start3A_3 = arith.constant 0 : i32
    %dma_start3A_4 = arith.constant 0 : i32
    %dma_start3A_5 = arith.constant 0 : i32
    %dma_start3A_6 = tpu.memref_slice %arg7[%dma_start3A_3, %dma_start3A_4, %dma_start3A_5] : memref<4x96x128xf32, #tpu.memory_space<vmem>> -> memref<1x96x128xf32, #tpu.memory_space<vmem>>
    %dma_start3A_7 = tpu.memref_squeeze %dma_start3A_6 : memref<1x96x128xf32, #tpu.memory_space<vmem>> -> memref<96x128xf32, #tpu.memory_space<vmem>>
    %dma_start3A_8 = arith.constant 0 : i32
    %dma_start3A_9 = tpu.memref_slice %arg6[%dma_start3A, %dma_start3A_8] : memref<32x96xi32, #tpu.memory_space<vmem>> -> memref<1x96xi32, #tpu.memory_space<vmem>>
    %dma_start3A_10 = tpu.memref_squeeze %dma_start3A_9 : memref<1x96xi32, #tpu.memory_space<vmem>> -> memref<96xi32, #tpu.memory_space<vmem>>
    %dma_start3A_11 = arith.constant 0 : i32
    %dma_start3A_12 = arith.constant 0 : i32
    %dma_start3A_13 = tpu.memref_slice %arg2[%dma_start3A_11, %dma_start3A_12] : memref<100000x128xf32, #tpu.memory_space<hbm>> -> memref<100000x128xf32, #tpu.memory_space<hbm>>
    tpu.enqueue_indirect_dma source(%dma_start3A_13 : memref<100000x128xf32, #tpu.memory_space<hbm>>) target(%dma_start3A_7 : memref<96x128xf32, #tpu.memory_space<vmem>>) offsets(%dma_start3A_10 : memref<96xi32, #tpu.memory_space<vmem>>) semaphore(%arg10 : memref<!tpu.dma_semaphore, #tpu.memory_space<semaphore_mem>>)
    %dma_start3A_14 = arith.constant 1 : i32
    %dma_start3A_15 = arith.constant 1 : i32
    %dma_start3A_16 = arith.constant 0 : i32
    %dma_start3A_17 = arith.constant 0 : i32
    %dma_start3A_18 = tpu.memref_slice %arg7[%dma_start3A_15, %dma_start3A_16, %dma_start3A_17] : memref<4x96x128xf32, #tpu.memory_space<vmem>> -> memref<1x96x128xf32, #tpu.memory_space<vmem>>
    %dma_start3A_19 = tpu.memref_squeeze %dma_start3A_18 : memref<1x96x128xf32, #tpu.memory_space<vmem>> -> memref<96x128xf32, #tpu.memory_space<vmem>>
    %dma_start3A_20 = arith.constant 0 : i32
    %dma_start3A_21 = tpu.memref_slice %arg6[%dma_start3A_14, %dma_start3A_20] : memref<32x96xi32, #tpu.memory_space<vmem>> -> memref<1x96xi32, #tpu.memory_space<vmem>>
    %dma_start3A_22 = tpu.memref_squeeze %dma_start3A_21 : memref<1x96xi32, #tpu.memory_space<vmem>> -> memref<96xi32, #tpu.memory_space<vmem>>
    %dma_start3A_23 = arith.constant 0 : i32
    %dma_start3A_24 = arith.constant 0 : i32
    %dma_start3A_25 = tpu.memref_slice %arg2[%dma_start3A_23, %dma_start3A_24] : memref<100000x128xf32, #tpu.memory_space<hbm>> -> memref<100000x128xf32, #tpu.memory_space<hbm>>
    tpu.enqueue_indirect_dma source(%dma_start3A_25 : memref<100000x128xf32, #tpu.memory_space<hbm>>) target(%dma_start3A_19 : memref<96x128xf32, #tpu.memory_space<vmem>>) offsets(%dma_start3A_22 : memref<96xi32, #tpu.memory_space<vmem>>) semaphore(%arg11 : memref<!tpu.dma_semaphore, #tpu.memory_space<semaphore_mem>>)
    %dma_start3A_26 = arith.constant 2 : i32
    %dma_start3A_27 = arith.constant 2 : i32
    %dma_start3A_28 = arith.constant 0 : i32
    %dma_start3A_29 = arith.constant 0 : i32
    %dma_start3A_30 = tpu.memref_slice %arg7[%dma_start3A_27, %dma_start3A_28, %dma_start3A_29] : memref<4x96x128xf32, #tpu.memory_space<vmem>> -> memref<1x96x128xf32, #tpu.memory_space<vmem>>
    %dma_start3A_31 = tpu.memref_squeeze %dma_start3A_30 : memref<1x96x128xf32, #tpu.memory_space<vmem>> -> memref<96x128xf32, #tpu.memory_space<vmem>>
    %dma_start3A_32 = arith.constant 0 : i32
    %dma_start3A_33 = tpu.memref_slice %arg6[%dma_start3A_26, %dma_start3A_32] : memref<32x96xi32, #tpu.memory_space<vmem>> -> memref<1x96xi32, #tpu.memory_space<vmem>>
    %dma_start3A_34 = tpu.memref_squeeze %dma_start3A_33 : memref<1x96xi32, #tpu.memory_space<vmem>> -> memref<96xi32, #tpu.memory_space<vmem>>
    %dma_start3A_35 = arith.constant 0 : i32
    %dma_start3A_36 = arith.constant 0 : i32
    %dma_start3A_37 = tpu.memref_slice %arg2[%dma_start3A_35, %dma_start3A_36] : memref<100000x128xf32, #tpu.memory_space<hbm>> -> memref<100000x128xf32, #tpu.memory_space<hbm>>
    tpu.enqueue_indirect_dma source(%dma_start3A_37 : memref<100000x128xf32, #tpu.memory_space<hbm>>) target(%dma_start3A_31 : memref<96x128xf32, #tpu.memory_space<vmem>>) offsets(%dma_start3A_34 : memref<96xi32, #tpu.memory_space<vmem>>) semaphore(%arg12 : memref<!tpu.dma_semaphore, #tpu.memory_space<semaphore_mem>>)
    %dma_start3A_38 = arith.constant 3 : i32
    %dma_start3A_39 = arith.constant 3 : i32
    %dma_start3A_40 = arith.constant 0 : i32
    %dma_start3A_41 = arith.constant 0 : i32
    %dma_start3A_42 = tpu.memref_slice %arg7[%dma_start3A_39, %dma_start3A_40, %dma_start3A_41] : memref<4x96x128xf32, #tpu.memory_space<vmem>> -> memref<1x96x128xf32, #tpu.memory_space<vmem>>
    %dma_start3A_43 = tpu.memref_squeeze %dma_start3A_42 : memref<1x96x128xf32, #tpu.memory_space<vmem>> -> memref<96x128xf32, #tpu.memory_space<vmem>>
    %dma_start3A_44 = arith.constant 0 : i32
    %dma_start3A_45 = tpu.memref_slice %arg6[%dma_start3A_38, %dma_start3A_44] : memref<32x96xi32, #tpu.memory_space<vmem>> -> memref<1x96xi32, #tpu.memory_space<vmem>>
    %dma_start3A_46 = tpu.memref_squeeze %dma_start3A_45 : memref<1x96xi32, #tpu.memory_space<vmem>> -> memref<96xi32, #tpu.memory_space<vmem>>
    %dma_start3A_47 = arith.constant 0 : i32
    %dma_start3A_48 = arith.constant 0 : i32
    %dma_start3A_49 = tpu.memref_slice %arg2[%dma_start3A_47, %dma_start3A_48] : memref<100000x128xf32, #tpu.memory_space<hbm>> -> memref<100000x128xf32, #tpu.memory_space<hbm>>
    tpu.enqueue_indirect_dma source(%dma_start3A_49 : memref<100000x128xf32, #tpu.memory_space<hbm>>) target(%dma_start3A_43 : memref<96x128xf32, #tpu.memory_space<vmem>>) offsets(%dma_start3A_46 : memref<96xi32, #tpu.memory_space<vmem>>) semaphore(%arg13 : memref<!tpu.dma_semaphore, #tpu.memory_space<semaphore_mem>>)
    %scan3A = arith.constant 0 : i32
    %scan3A_50 = arith.constant 0 : i32
    %scan3A_51 = arith.constant 8 : i32
    %scan3A_52 = arith.addi %scan3A_50, %scan3A_51 : i32
    %scan3A_53 = arith.constant 1 : i32
    scf.for %scan3A_55 = %scan3A_50 to %scan3A_52 step %scan3A_53  : i32 {
      %mul3A_56 = arith.constant 4 : i32
      %mul3A_57 = arith.muli %scan3A_55, %mul3A_56 : i32
      %add3A_58 = arith.constant 0 : i32
      %add3A_59 = arith.addi %mul3A_57, %add3A_58 : i32
      %dma_wait3A = arith.constant 0 : i32
      %dma_wait3A_60 = arith.constant 0 : i32
      %dma_wait3A_61 = arith.constant 0 : i32
      %dma_wait3A_62 = tpu.memref_slice %arg7[%dma_wait3A, %dma_wait3A_60, %dma_wait3A_61] : memref<4x96x128xf32, #tpu.memory_space<vmem>> -> memref<1x96x128xf32, #tpu.memory_space<vmem>>
      %dma_wait3A_63 = tpu.memref_squeeze %dma_wait3A_62 : memref<1x96x128xf32, #tpu.memory_space<vmem>> -> memref<96x128xf32, #tpu.memory_space<vmem>>
      %dma_wait3A_64 = arith.constant 0 : i32
      %dma_wait3A_65 = tpu.memref_slice %arg6[%add3A_59, %dma_wait3A_64] : memref<32x96xi32, #tpu.memory_space<vmem>> -> memref<1x96xi32, #tpu.memory_space<vmem>>
      %dma_wait3A_66 = tpu.memref_squeeze %dma_wait3A_65 : memref<1x96xi32, #tpu.memory_space<vmem>> -> memref<96xi32, #tpu.memory_space<vmem>>
      %dma_wait3A_67 = arith.constant 0 : i32
      %dma_wait3A_68 = arith.constant 0 : i32
      %dma_wait3A_69 = tpu.memref_slice %arg2[%dma_wait3A_67, %dma_wait3A_68] : memref<100000x128xf32, #tpu.memory_space<hbm>> -> memref<100000x128xf32, #tpu.memory_space<hbm>>
      tpu.wait_indirect_dma semaphore(%arg10 : memref<!tpu.dma_semaphore, #tpu.memory_space<semaphore_mem>>) src(%dma_wait3A_69 : memref<100000x128xf32, #tpu.memory_space<hbm>>) dst(%dma_wait3A_63 : memref<96x128xf32, #tpu.memory_space<vmem>>)
      %broadcast_in_dim3A = arith.constant 0.000000e+00 : f32
      %broadcast_in_dim3A_70 = vector.broadcast %broadcast_in_dim3A : f32 to vector<16xf32>
      %broadcast_in_dim3A_71 = arith.constant 0.000000e+00 : f32
      %broadcast_in_dim3A_72 = vector.broadcast %broadcast_in_dim3A_71 : f32 to vector<16xf32>
      %broadcast_in_dim3A_73 = arith.constant 0.000000e+00 : f32
      %broadcast_in_dim3A_74 = vector.broadcast %broadcast_in_dim3A_73 : f32 to vector<16xf32>
      %broadcast_in_dim3A_75 = arith.constant 0.000000e+00 : f32
      %broadcast_in_dim3A_76 = vector.broadcast %broadcast_in_dim3A_75 : f32 to vector<16xf32>
      %broadcast_in_dim3A_77 = arith.constant 0.000000e+00 : f32
      %broadcast_in_dim3A_78 = vector.broadcast %broadcast_in_dim3A_77 : f32 to vector<16xf32>
      %broadcast_in_dim3A_79 = arith.constant 0.000000e+00 : f32
      %broadcast_in_dim3A_80 = vector.broadcast %broadcast_in_dim3A_79 : f32 to vector<16xf32>
      %broadcast_in_dim3A_81 = arith.constant 0.000000e+00 : f32
      %broadcast_in_dim3A_82 = vector.broadcast %broadcast_in_dim3A_81 : f32 to vector<16xf32>
      %broadcast_in_dim3A_83 = arith.constant 0.000000e+00 : f32
      %broadcast_in_dim3A_84 = vector.broadcast %broadcast_in_dim3A_83 : f32 to vector<16xf32>
      %parallel_loop3A = arith.constant 0 : i32
      %parallel_loop3A_85 = arith.constant 96 : i32
      %parallel_loop3A_86 = arith.constant 1 : i32
      %parallel_loop3A_87:8 = scf.for %parallel_loop3A_853 = %parallel_loop3A to %parallel_loop3A_85 step %parallel_loop3A_86 iter_args(%parallel_loop3A_854 = %broadcast_in_dim3A_70, %parallel_loop3A_855 = %broadcast_in_dim3A_72, %parallel_loop3A_856 = %broadcast_in_dim3A_74, %parallel_loop3A_857 = %broadcast_in_dim3A_76, %parallel_loop3A_858 = %broadcast_in_dim3A_78, %parallel_loop3A_859 = %broadcast_in_dim3A_80, %parallel_loop3A_860 = %broadcast_in_dim3A_82, %parallel_loop3A_861 = %broadcast_in_dim3A_84) -> (vector<16xf32>, vector<16xf32>, vector<16xf32>, vector<16xf32>, vector<16xf32>, vector<16xf32>, vector<16xf32>, vector<16xf32>)  : i32 {
        %parallel_loop3A_862 = arith.constant 0 : i32
        %parallel_loop3A_863 = arith.index_cast %parallel_loop3A_862 : i32 to index
        %parallel_loop3A_864 = arith.index_cast %parallel_loop3A_853 : i32 to index
        %parallel_loop3A_865 = arith.constant 0 : index
        %parallel_loop3A_866 = tpu.vector_load %arg7[%parallel_loop3A_863, %parallel_loop3A_864, %parallel_loop3A_865] {strides = array<i32>} : memref<4x96x128xf32, #tpu.memory_space<vmem>>, vector<1x1x16xf32>,
        %parallel_loop3A_867 = vector.shape_cast %parallel_loop3A_866 : vector<1x1x16xf32> to vector<16xf32>
        %parallel_loop3A_868 = arith.addf %parallel_loop3A_854, %parallel_loop3A_867 : vector<16xf32>
        %parallel_loop3A_869 = arith.constant 0 : i32
        %parallel_loop3A_870 = arith.index_cast %parallel_loop3A_869 : i32 to index
        %parallel_loop3A_871 = arith.index_cast %parallel_loop3A_853 : i32 to index
        %parallel_loop3A_872 = arith.constant 16 : index
        %parallel_loop3A_873 = tpu.vector_load %arg7[%parallel_loop3A_870, %parallel_loop3A_871, %parallel_loop3A_872] {strides = array<i32>} : memref<4x96x128xf32, #tpu.memory_space<vmem>>, vector<1x1x16xf32>,
        %parallel_loop3A_874 = vector.shape_cast %parallel_loop3A_873 : vector<1x1x16xf32> to vector<16xf32>
        %parallel_loop3A_875 = arith.addf %parallel_loop3A_855, %parallel_loop3A_874 : vector<16xf32>
        %parallel_loop3A_876 = arith.constant 0 : i32
        %parallel_loop3A_877 = arith.index_cast %parallel_loop3A_876 : i32 to index
        %parallel_loop3A_878 = arith.index_cast %parallel_loop3A_853 : i32 to index
        %parallel_loop3A_879 = arith.constant 32 : index
        %parallel_loop3A_880 = tpu.vector_load %arg7[%parallel_loop3A_877, %parallel_loop3A_878, %parallel_loop3A_879] {strides = array<i32>} : memref<4x96x128xf32, #tpu.memory_space<vmem>>, vector<1x1x16xf32>,
        %parallel_loop3A_881 = vector.shape_cast %parallel_loop3A_880 : vector<1x1x16xf32> to vector<16xf32>
        %parallel_loop3A_882 = arith.addf %parallel_loop3A_856, %parallel_loop3A_881 : vector<16xf32>
        %parallel_loop3A_883 = arith.constant 0 : i32
        %parallel_loop3A_884 = arith.index_cast %parallel_loop3A_883 : i32 to index
        %parallel_loop3A_885 = arith.index_cast %parallel_loop3A_853 : i32 to index
        %parallel_loop3A_886 = arith.constant 48 : index
        %parallel_loop3A_887 = tpu.vector_load %arg7[%parallel_loop3A_884, %parallel_loop3A_885, %parallel_loop3A_886] {strides = array<i32>} : memref<4x96x128xf32, #tpu.memory_space<vmem>>, vector<1x1x16xf32>,
        %parallel_loop3A_888 = vector.shape_cast %parallel_loop3A_887 : vector<1x1x16xf32> to vector<16xf32>
        %parallel_loop3A_889 = arith.addf %parallel_loop3A_857, %parallel_loop3A_888 : vector<16xf32>
        %parallel_loop3A_890 = arith.constant 0 : i32
        %parallel_loop3A_891 = arith.index_cast %parallel_loop3A_890 : i32 to index
        %parallel_loop3A_892 = arith.index_cast %parallel_loop3A_853 : i32 to index
        %parallel_loop3A_893 = arith.constant 64 : index
        %parallel_loop3A_894 = tpu.vector_load %arg7[%parallel_loop3A_891, %parallel_loop3A_892, %parallel_loop3A_893] {strides = array<i32>} : memref<4x96x128xf32, #tpu.memory_space<vmem>>, vector<1x1x16xf32>,
        %parallel_loop3A_895 = vector.shape_cast %parallel_loop3A_894 : vector<1x1x16xf32> to vector<16xf32>
        %parallel_loop3A_896 = arith.addf %parallel_loop3A_858, %parallel_loop3A_895 : vector<16xf32>
        %parallel_loop3A_897 = arith.constant 0 : i32
        %parallel_loop3A_898 = arith.index_cast %parallel_loop3A_897 : i32 to index
        %parallel_loop3A_899 = arith.index_cast %parallel_loop3A_853 : i32 to index
        %parallel_loop3A_900 = arith.constant 80 : index
        %parallel_loop3A_901 = tpu.vector_load %arg7[%parallel_loop3A_898, %parallel_loop3A_899, %parallel_loop3A_900] {strides = array<i32>} : memref<4x96x128xf32, #tpu.memory_space<vmem>>, vector<1x1x16xf32>,
        %parallel_loop3A_902 = vector.shape_cast %parallel_loop3A_901 : vector<1x1x16xf32> to vector<16xf32>
        %parallel_loop3A_903 = arith.addf %parallel_loop3A_859, %parallel_loop3A_902 : vector<16xf32>
        %parallel_loop3A_904 = arith.constant 0 : i32
        %parallel_loop3A_905 = arith.index_cast %parallel_loop3A_904 : i32 to index
        %parallel_loop3A_906 = arith.index_cast %parallel_loop3A_853 : i32 to index
        %parallel_loop3A_907 = arith.constant 96 : index
        %parallel_loop3A_908 = tpu.vector_load %arg7[%parallel_loop3A_905, %parallel_loop3A_906, %parallel_loop3A_907] {strides = array<i32>} : memref<4x96x128xf32, #tpu.memory_space<vmem>>, vector<1x1x16xf32>,
        %parallel_loop3A_909 = vector.shape_cast %parallel_loop3A_908 : vector<1x1x16xf32> to vector<16xf32>
        %parallel_loop3A_910 = arith.addf %parallel_loop3A_860, %parallel_loop3A_909 : vector<16xf32>
        %parallel_loop3A_911 = arith.constant 0 : i32
        %parallel_loop3A_912 = arith.index_cast %parallel_loop3A_911 : i32 to index
        %parallel_loop3A_913 = arith.index_cast %parallel_loop3A_853 : i32 to index
        %parallel_loop3A_914 = arith.constant 112 : index
        %parallel_loop3A_915 = tpu.vector_load %arg7[%parallel_loop3A_912, %parallel_loop3A_913, %parallel_loop3A_914] {strides = array<i32>} : memref<4x96x128xf32, #tpu.memory_space<vmem>>, vector<1x1x16xf32>,
        %parallel_loop3A_916 = vector.shape_cast %parallel_loop3A_915 : vector<1x1x16xf32> to vector<16xf32>
        %parallel_loop3A_917 = arith.addf %parallel_loop3A_861, %parallel_loop3A_916 : vector<16xf32>
        scf.yield %parallel_loop3A_868, %parallel_loop3A_875, %parallel_loop3A_882, %parallel_loop3A_889, %parallel_loop3A_896, %parallel_loop3A_903, %parallel_loop3A_910, %parallel_loop3A_917 : vector<16xf32>, vector<16xf32>, vector<16xf32>, vector<16xf32>, vector<16xf32>, vector<16xf32>, vector<16xf32>, vector<16xf32>
      } {sc.loop_unroll_factor = 16 : i64, sc.parallel_access}
      %get3A = arith.constant 0 : index
      %get3A_88 = tpu.vector_load %arg8[%get3A] {strides = array<i32>} : memref<128xf32, #tpu.memory_space<vmem>>, vector<16xf32>,
      %get3A_89 = vector.shape_cast %get3A_88 : vector<16xf32> to vector<16xf32>
      %add3A_90 = arith.addf %parallel_loop3A_87#0, %get3A_89 : vector<16xf32>
      %neg3A = arith.constant 0.000000e+00 : f32
      %neg3A_91 = vector.broadcast %neg3A : f32 to vector<16xf32>
      %neg3A_92 = arith.subf %neg3A_91, %add3A_90 : vector<16xf32>
      %exp3A = math.exp %neg3A_92 : vector<16xf32>
      %add3A_93 = arith.constant 1.000000e+00 : f32
      %add3A_94 = vector.broadcast %add3A_93 : f32 to vector<16xf32>
      %add3A_95 = arith.addf %add3A_94, %exp3A : vector<16xf32>
      %div3A = arith.constant 1.000000e+00 : f32
      %div3A_96 = vector.broadcast %div3A : f32 to vector<16xf32>
      %div3A_97 = arith.divf %div3A_96, %add3A_95 : vector<16xf32>
      %mul3A_98 = arith.mulf %add3A_90, %div3A_97 : vector<16xf32>
      %swap3A = arith.index_cast %add3A_59 : i32 to index
      %swap3A_99 = arith.constant 0 : index
      %swap3A_100 = tpu.vector_load %arg9[%swap3A, %swap3A_99] {strides = array<i32>} : memref<32x128xf32, #tpu.memory_space<vmem>>, vector<1x16xf32>,
      %swap3A_101 = vector.shape_cast %swap3A_100 : vector<1x16xf32> to vector<16xf32>
      %swap3A_102 = vector.shape_cast %mul3A_98 : vector<16xf32> to vector<1x16xf32>
      tpu.vector_store %arg9[%swap3A, %swap3A_99], %swap3A_102 {strides = array<i32>} : memref<32x128xf32, #tpu.memory_space<vmem>>, vector<1x16xf32>,
      %get3A_103 = arith.constant 16 : index
      %get3A_104 = tpu.vector_load %arg8[%get3A_103] {strides = array<i32>} : memref<128xf32, #tpu.memory_space<vmem>>, vector<16xf32>,
      %get3A_105 = vector.shape_cast %get3A_104 : vector<16xf32> to vector<16xf32>
      %add3A_106 = arith.addf %parallel_loop3A_87#1, %get3A_105 : vector<16xf32>
      %neg3A_107 = arith.constant 0.000000e+00 : f32
      %neg3A_108 = vector.broadcast %neg3A_107 : f32 to vector<16xf32>
      %neg3A_109 = arith.subf %neg3A_108, %add3A_106 : vector<16xf32>
      %exp3A_110 = math.exp %neg3A_109 : vector<16xf32>
      %add3A_111 = arith.constant 1.000000e+00 : f32
      %add3A_112 = vector.broadcast %add3A_111 : f32 to vector<16xf32>
      %add3A_113 = arith.addf %add3A_112, %exp3A_110 : vector<16xf32>
      %div3A_114 = arith.constant 1.000000e+00 : f32
      %div3A_115 = vector.broadcast %div3A_114 : f32 to vector<16xf32>
      %div3A_116 = arith.divf %div3A_115, %add3A_113 : vector<16xf32>
      %mul3A_117 = arith.mulf %add3A_106, %div3A_116 : vector<16xf32>
      %swap3A_118 = arith.index_cast %add3A_59 : i32 to index
      %swap3A_119 = arith.constant 16 : index
      %swap3A_120 = tpu.vector_load %arg9[%swap3A_118, %swap3A_119] {strides = array<i32>} : memref<32x128xf32, #tpu.memory_space<vmem>>, vector<1x16xf32>,
      %swap3A_121 = vector.shape_cast %swap3A_120 : vector<1x16xf32> to vector<16xf32>
      %swap3A_122 = vector.shape_cast %mul3A_117 : vector<16xf32> to vector<1x16xf32>
      tpu.vector_store %arg9[%swap3A_118, %swap3A_119], %swap3A_122 {strides = array<i32>} : memref<32x128xf32, #tpu.memory_space<vmem>>, vector<1x16xf32>,
      %get3A_123 = arith.constant 32 : index
      %get3A_124 = tpu.vector_load %arg8[%get3A_123] {strides = array<i32>} : memref<128xf32, #tpu.memory_space<vmem>>, vector<16xf32>,
      %get3A_125 = vector.shape_cast %get3A_124 : vector<16xf32> to vector<16xf32>
      %add3A_126 = arith.addf %parallel_loop3A_87#2, %get3A_125 : vector<16xf32>
      %neg3A_127 = arith.constant 0.000000e+00 : f32
      %neg3A_128 = vector.broadcast %neg3A_127 : f32 to vector<16xf32>
      %neg3A_129 = arith.subf %neg3A_128, %add3A_126 : vector<16xf32>
      %exp3A_130 = math.exp %neg3A_129 : vector<16xf32>
      %add3A_131 = arith.constant 1.000000e+00 : f32
      %add3A_132 = vector.broadcast %add3A_131 : f32 to vector<16xf32>
      %add3A_133 = arith.addf %add3A_132, %exp3A_130 : vector<16xf32>
      %div3A_134 = arith.constant 1.000000e+00 : f32
      %div3A_135 = vector.broadcast %div3A_134 : f32 to vector<16xf32>
      %div3A_136 = arith.divf %div3A_135, %add3A_133 : vector<16xf32>
      %mul3A_137 = arith.mulf %add3A_126, %div3A_136 : vector<16xf32>
      %swap3A_138 = arith.index_cast %add3A_59 : i32 to index
      %swap3A_139 = arith.constant 32 : index
      %swap3A_140 = tpu.vector_load %arg9[%swap3A_138, %swap3A_139] {strides = array<i32>} : memref<32x128xf32, #tpu.memory_space<vmem>>, vector<1x16xf32>,
      %swap3A_141 = vector.shape_cast %swap3A_140 : vector<1x16xf32> to vector<16xf32>
      %swap3A_142 = vector.shape_cast %mul3A_137 : vector<16xf32> to vector<1x16xf32>
      tpu.vector_store %arg9[%swap3A_138, %swap3A_139], %swap3A_142 {strides = array<i32>} : memref<32x128xf32, #tpu.memory_space<vmem>>, vector<1x16xf32>,
      %get3A_143 = arith.constant 48 : index
      %get3A_144 = tpu.vector_load %arg8[%get3A_143] {strides = array<i32>} : memref<128xf32, #tpu.memory_space<vmem>>, vector<16xf32>,
      %get3A_145 = vector.shape_cast %get3A_144 : vector<16xf32> to vector<16xf32>
      %add3A_146 = arith.addf %parallel_loop3A_87#3, %get3A_145 : vector<16xf32>
      %neg3A_147 = arith.constant 0.000000e+00 : f32
      %neg3A_148 = vector.broadcast %neg3A_147 : f32 to vector<16xf32>
      %neg3A_149 = arith.subf %neg3A_148, %add3A_146 : vector<16xf32>
      %exp3A_150 = math.exp %neg3A_149 : vector<16xf32>
      %add3A_151 = arith.constant 1.000000e+00 : f32
      %add3A_152 = vector.broadcast %add3A_151 : f32 to vector<16xf32>
      %add3A_153 = arith.addf %add3A_152, %exp3A_150 : vector<16xf32>
      %div3A_154 = arith.constant 1.000000e+00 : f32
      %div3A_155 = vector.broadcast %div3A_154 : f32 to vector<16xf32>
      %div3A_156 = arith.divf %div3A_155, %add3A_153 : vector<16xf32>
      %mul3A_157 = arith.mulf %add3A_146, %div3A_156 : vector<16xf32>
      %swap3A_158 = arith.index_cast %add3A_59 : i32 to index
      %swap3A_159 = arith.constant 48 : index
      %swap3A_160 = tpu.vector_load %arg9[%swap3A_158, %swap3A_159] {strides = array<i32>} : memref<32x128xf32, #tpu.memory_space<vmem>>, vector<1x16xf32>,
      %swap3A_161 = vector.shape_cast %swap3A_160 : vector<1x16xf32> to vector<16xf32>
      %swap3A_162 = vector.shape_cast %mul3A_157 : vector<16xf32> to vector<1x16xf32>
      tpu.vector_store %arg9[%swap3A_158, %swap3A_159], %swap3A_162 {strides = array<i32>} : memref<32x128xf32, #tpu.memory_space<vmem>>, vector<1x16xf32>,
      %get3A_163 = arith.constant 64 : index
      %get3A_164 = tpu.vector_load %arg8[%get3A_163] {strides = array<i32>} : memref<128xf32, #tpu.memory_space<vmem>>, vector<16xf32>,
      %get3A_165 = vector.shape_cast %get3A_164 : vector<16xf32> to vector<16xf32>
      %add3A_166 = arith.addf %parallel_loop3A_87#4, %get3A_165 : vector<16xf32>
      %neg3A_167 = arith.constant 0.000000e+00 : f32
      %neg3A_168 = vector.broadcast %neg3A_167 : f32 to vector<16xf32>
      %neg3A_169 = arith.subf %neg3A_168, %add3A_166 : vector<16xf32>
      %exp3A_170 = math.exp %neg3A_169 : vector<16xf32>
      %add3A_171 = arith.constant 1.000000e+00 : f32
      %add3A_172 = vector.broadcast %add3A_171 : f32 to vector<16xf32>
      %add3A_173 = arith.addf %add3A_172, %exp3A_170 : vector<16xf32>
      %div3A_174 = arith.constant 1.000000e+00 : f32
      %div3A_175 = vector.broadcast %div3A_174 : f32 to vector<16xf32>
      %div3A_176 = arith.divf %div3A_175, %add3A_173 : vector<16xf32>
      %mul3A_177 = arith.mulf %add3A_166, %div3A_176 : vector<16xf32>
      %swap3A_178 = arith.index_cast %add3A_59 : i32 to index
      %swap3A_179 = arith.constant 64 : index
      %swap3A_180 = tpu.vector_load %arg9[%swap3A_178, %swap3A_179] {strides = array<i32>} : memref<32x128xf32, #tpu.memory_space<vmem>>, vector<1x16xf32>,
      %swap3A_181 = vector.shape_cast %swap3A_180 : vector<1x16xf32> to vector<16xf32>
      %swap3A_182 = vector.shape_cast %mul3A_177 : vector<16xf32> to vector<1x16xf32>
      tpu.vector_store %arg9[%swap3A_178, %swap3A_179], %swap3A_182 {strides = array<i32>} : memref<32x128xf32, #tpu.memory_space<vmem>>, vector<1x16xf32>,
      %get3A_183 = arith.constant 80 : index
      %get3A_184 = tpu.vector_load %arg8[%get3A_183] {strides = array<i32>} : memref<128xf32, #tpu.memory_space<vmem>>, vector<16xf32>,
      %get3A_185 = vector.shape_cast %get3A_184 : vector<16xf32> to vector<16xf32>
      %add3A_186 = arith.addf %parallel_loop3A_87#5, %get3A_185 : vector<16xf32>
      %neg3A_187 = arith.constant 0.000000e+00 : f32
      %neg3A_188 = vector.broadcast %neg3A_187 : f32 to vector<16xf32>
      %neg3A_189 = arith.subf %neg3A_188, %add3A_186 : vector<16xf32>
      %exp3A_190 = math.exp %neg3A_189 : vector<16xf32>
      %add3A_191 = arith.constant 1.000000e+00 : f32
      %add3A_192 = vector.broadcast %add3A_191 : f32 to vector<16xf32>
      %add3A_193 = arith.addf %add3A_192, %exp3A_190 : vector<16xf32>
      %div3A_194 = arith.constant 1.000000e+00 : f32
      %div3A_195 = vector.broadcast %div3A_194 : f32 to vector<16xf32>
      %div3A_196 = arith.divf %div3A_195, %add3A_193 : vector<16xf32>
      %mul3A_197 = arith.mulf %add3A_186, %div3A_196 : vector<16xf32>
      %swap3A_198 = arith.index_cast %add3A_59 : i32 to index
      %swap3A_199 = arith.constant 80 : index
      %swap3A_200 = tpu.vector_load %arg9[%swap3A_198, %swap3A_199] {strides = array<i32>} : memref<32x128xf32, #tpu.memory_space<vmem>>, vector<1x16xf32>,
      %swap3A_201 = vector.shape_cast %swap3A_200 : vector<1x16xf32> to vector<16xf32>
      %swap3A_202 = vector.shape_cast %mul3A_197 : vector<16xf32> to vector<1x16xf32>
      tpu.vector_store %arg9[%swap3A_198, %swap3A_199], %swap3A_202 {strides = array<i32>} : memref<32x128xf32, #tpu.memory_space<vmem>>, vector<1x16xf32>,
      %get3A_203 = arith.constant 96 : index
      %get3A_204 = tpu.vector_load %arg8[%get3A_203] {strides = array<i32>} : memref<128xf32, #tpu.memory_space<vmem>>, vector<16xf32>,
      %get3A_205 = vector.shape_cast %get3A_204 : vector<16xf32> to vector<16xf32>
      %add3A_206 = arith.addf %parallel_loop3A_87#6, %get3A_205 : vector<16xf32>
      %neg3A_207 = arith.constant 0.000000e+00 : f32
      %neg3A_208 = vector.broadcast %neg3A_207 : f32 to vector<16xf32>
      %neg3A_209 = arith.subf %neg3A_208, %add3A_206 : vector<16xf32>
      %exp3A_210 = math.exp %neg3A_209 : vector<16xf32>
      %add3A_211 = arith.constant 1.000000e+00 : f32
      %add3A_212 = vector.broadcast %add3A_211 : f32 to vector<16xf32>
      %add3A_213 = arith.addf %add3A_212, %exp3A_210 : vector<16xf32>
      %div3A_214 = arith.constant 1.000000e+00 : f32
      %div3A_215 = vector.broadcast %div3A_214 : f32 to vector<16xf32>
      %div3A_216 = arith.divf %div3A_215, %add3A_213 : vector<16xf32>
      %mul3A_217 = arith.mulf %add3A_206, %div3A_216 : vector<16xf32>
      %swap3A_218 = arith.index_cast %add3A_59 : i32 to index
      %swap3A_219 = arith.constant 96 : index
      %swap3A_220 = tpu.vector_load %arg9[%swap3A_218, %swap3A_219] {strides = array<i32>} : memref<32x128xf32, #tpu.memory_space<vmem>>, vector<1x16xf32>,
      %swap3A_221 = vector.shape_cast %swap3A_220 : vector<1x16xf32> to vector<16xf32>
      %swap3A_222 = vector.shape_cast %mul3A_217 : vector<16xf32> to vector<1x16xf32>
      tpu.vector_store %arg9[%swap3A_218, %swap3A_219], %swap3A_222 {strides = array<i32>} : memref<32x128xf32, #tpu.memory_space<vmem>>, vector<1x16xf32>,
      %get3A_223 = arith.constant 112 : index
      %get3A_224 = tpu.vector_load %arg8[%get3A_223] {strides = array<i32>} : memref<128xf32, #tpu.memory_space<vmem>>, vector<16xf32>,
      %get3A_225 = vector.shape_cast %get3A_224 : vector<16xf32> to vector<16xf32>
      %add3A_226 = arith.addf %parallel_loop3A_87#7, %get3A_225 : vector<16xf32>
      %neg3A_227 = arith.constant 0.000000e+00 : f32
      %neg3A_228 = vector.broadcast %neg3A_227 : f32 to vector<16xf32>
      %neg3A_229 = arith.subf %neg3A_228, %add3A_226 : vector<16xf32>
      %exp3A_230 = math.exp %neg3A_229 : vector<16xf32>
      %add3A_231 = arith.constant 1.000000e+00 : f32
      %add3A_232 = vector.broadcast %add3A_231 : f32 to vector<16xf32>
      %add3A_233 = arith.addf %add3A_232, %exp3A_230 : vector<16xf32>
      %div3A_234 = arith.constant 1.000000e+00 : f32
      %div3A_235 = vector.broadcast %div3A_234 : f32 to vector<16xf32>
      %div3A_236 = arith.divf %div3A_235, %add3A_233 : vector<16xf32>
      %mul3A_237 = arith.mulf %add3A_226, %div3A_236 : vector<16xf32>
      %swap3A_238 = arith.index_cast %add3A_59 : i32 to index
      %swap3A_239 = arith.constant 112 : index
      %swap3A_240 = tpu.vector_load %arg9[%swap3A_238, %swap3A_239] {strides = array<i32>} : memref<32x128xf32, #tpu.memory_space<vmem>>, vector<1x16xf32>,
      %swap3A_241 = vector.shape_cast %swap3A_240 : vector<1x16xf32> to vector<16xf32>
      %swap3A_242 = vector.shape_cast %mul3A_237 : vector<16xf32> to vector<1x16xf32>
      tpu.vector_store %arg9[%swap3A_238, %swap3A_239], %swap3A_242 {strides = array<i32>} : memref<32x128xf32, #tpu.memory_space<vmem>>, vector<1x16xf32>,
      %add3A_243 = arith.constant 4 : i32
      %add3A_244 = arith.addi %add3A_59, %add3A_243 : i32
      %lt3A = arith.constant 32 : i32
      %lt3A_245 = arith.cmpi slt, %add3A_244, %lt3A : i32
      %convert_element_type3A = arith.extui %lt3A_245 : i1 to i32
      %cond3A = arith.constant 0 : i32
      %cond3A_246 = arith.cmpi ne, %convert_element_type3A, %cond3A : i32
      scf.if %cond3A_246 {
        %add3A_853 = arith.constant 4 : i32
        %add3A_854 = arith.addi %add3A_59, %add3A_853 : i32
        %dma_start3A_855 = arith.constant 0 : i32
        %dma_start3A_856 = arith.constant 0 : i32
        %dma_start3A_857 = arith.constant 0 : i32
        %dma_start3A_858 = tpu.memref_slice %arg7[%dma_start3A_855, %dma_start3A_856, %dma_start3A_857] : memref<4x96x128xf32, #tpu.memory_space<vmem>> -> memref<1x96x128xf32, #tpu.memory_space<vmem>>
        %dma_start3A_859 = tpu.memref_squeeze %dma_start3A_858 : memref<1x96x128xf32, #tpu.memory_space<vmem>> -> memref<96x128xf32, #tpu.memory_space<vmem>>
        %dma_start3A_860 = arith.constant 0 : i32
        %dma_start3A_861 = tpu.memref_slice %arg6[%add3A_854, %dma_start3A_860] : memref<32x96xi32, #tpu.memory_space<vmem>> -> memref<1x96xi32, #tpu.memory_space<vmem>>
        %dma_start3A_862 = tpu.memref_squeeze %dma_start3A_861 : memref<1x96xi32, #tpu.memory_space<vmem>> -> memref<96xi32, #tpu.memory_space<vmem>>
        %dma_start3A_863 = arith.constant 0 : i32
        %dma_start3A_864 = arith.constant 0 : i32
        %dma_start3A_865 = tpu.memref_slice %arg2[%dma_start3A_863, %dma_start3A_864] : memref<100000x128xf32, #tpu.memory_space<hbm>> -> memref<100000x128xf32, #tpu.memory_space<hbm>>
        tpu.enqueue_indirect_dma source(%dma_start3A_865 : memref<100000x128xf32, #tpu.memory_space<hbm>>) target(%dma_start3A_859 : memref<96x128xf32, #tpu.memory_space<vmem>>) offsets(%dma_start3A_862 : memref<96xi32, #tpu.memory_space<vmem>>) semaphore(%arg10 : memref<!tpu.dma_semaphore, #tpu.memory_space<semaphore_mem>>)
      } else {
      }
      %mul3A_247 = arith.constant 4 : i32
      %mul3A_248 = arith.muli %scan3A_55, %mul3A_247 : i32
      %add3A_249 = arith.constant 1 : i32
      %add3A_250 = arith.addi %mul3A_248, %add3A_249 : i32
      %dma_wait3A_251 = arith.constant 1 : i32
      %dma_wait3A_252 = arith.constant 0 : i32
      %dma_wait3A_253 = arith.constant 0 : i32
      %dma_wait3A_254 = tpu.memref_slice %arg7[%dma_wait3A_251, %dma_wait3A_252, %dma_wait3A_253] : memref<4x96x128xf32, #tpu.memory_space<vmem>> -> memref<1x96x128xf32, #tpu.memory_space<vmem>>
      %dma_wait3A_255 = tpu.memref_squeeze %dma_wait3A_254 : memref<1x96x128xf32, #tpu.memory_space<vmem>> -> memref<96x128xf32, #tpu.memory_space<vmem>>
      %dma_wait3A_256 = arith.constant 0 : i32
      %dma_wait3A_257 = tpu.memref_slice %arg6[%add3A_250, %dma_wait3A_256] : memref<32x96xi32, #tpu.memory_space<vmem>> -> memref<1x96xi32, #tpu.memory_space<vmem>>
      %dma_wait3A_258 = tpu.memref_squeeze %dma_wait3A_257 : memref<1x96xi32, #tpu.memory_space<vmem>> -> memref<96xi32, #tpu.memory_space<vmem>>
      %dma_wait3A_259 = arith.constant 0 : i32
      %dma_wait3A_260 = arith.constant 0 : i32
      %dma_wait3A_261 = tpu.memref_slice %arg2[%dma_wait3A_259, %dma_wait3A_260] : memref<100000x128xf32, #tpu.memory_space<hbm>> -> memref<100000x128xf32, #tpu.memory_space<hbm>>
      tpu.wait_indirect_dma semaphore(%arg11 : memref<!tpu.dma_semaphore, #tpu.memory_space<semaphore_mem>>) src(%dma_wait3A_261 : memref<100000x128xf32, #tpu.memory_space<hbm>>) dst(%dma_wait3A_255 : memref<96x128xf32, #tpu.memory_space<vmem>>)
      %broadcast_in_dim3A_262 = arith.constant 0.000000e+00 : f32
      %broadcast_in_dim3A_263 = vector.broadcast %broadcast_in_dim3A_262 : f32 to vector<16xf32>
      %broadcast_in_dim3A_264 = arith.constant 0.000000e+00 : f32
      %broadcast_in_dim3A_265 = vector.broadcast %broadcast_in_dim3A_264 : f32 to vector<16xf32>
      %broadcast_in_dim3A_266 = arith.constant 0.000000e+00 : f32
      %broadcast_in_dim3A_267 = vector.broadcast %broadcast_in_dim3A_266 : f32 to vector<16xf32>
      %broadcast_in_dim3A_268 = arith.constant 0.000000e+00 : f32
      %broadcast_in_dim3A_269 = vector.broadcast %broadcast_in_dim3A_268 : f32 to vector<16xf32>
      %broadcast_in_dim3A_270 = arith.constant 0.000000e+00 : f32
      %broadcast_in_dim3A_271 = vector.broadcast %broadcast_in_dim3A_270 : f32 to vector<16xf32>
      %broadcast_in_dim3A_272 = arith.constant 0.000000e+00 : f32
      %broadcast_in_dim3A_273 = vector.broadcast %broadcast_in_dim3A_272 : f32 to vector<16xf32>
      %broadcast_in_dim3A_274 = arith.constant 0.000000e+00 : f32
      %broadcast_in_dim3A_275 = vector.broadcast %broadcast_in_dim3A_274 : f32 to vector<16xf32>
      %broadcast_in_dim3A_276 = arith.constant 0.000000e+00 : f32
      %broadcast_in_dim3A_277 = vector.broadcast %broadcast_in_dim3A_276 : f32 to vector<16xf32>
      %parallel_loop3A_278 = arith.constant 0 : i32
      %parallel_loop3A_279 = arith.constant 96 : i32
      %parallel_loop3A_280 = arith.constant 1 : i32
      %parallel_loop3A_281:8 = scf.for %parallel_loop3A_853 = %parallel_loop3A_278 to %parallel_loop3A_279 step %parallel_loop3A_280 iter_args(%parallel_loop3A_854 = %broadcast_in_dim3A_263, %parallel_loop3A_855 = %broadcast_in_dim3A_265, %parallel_loop3A_856 = %broadcast_in_dim3A_267, %parallel_loop3A_857 = %broadcast_in_dim3A_269, %parallel_loop3A_858 = %broadcast_in_dim3A_271, %parallel_loop3A_859 = %broadcast_in_dim3A_273, %parallel_loop3A_860 = %broadcast_in_dim3A_275, %parallel_loop3A_861 = %broadcast_in_dim3A_277) -> (vector<16xf32>, vector<16xf32>, vector<16xf32>, vector<16xf32>, vector<16xf32>, vector<16xf32>, vector<16xf32>, vector<16xf32>)  : i32 {
        %parallel_loop3A_862 = arith.constant 1 : i32
        %parallel_loop3A_863 = arith.index_cast %parallel_loop3A_862 : i32 to index
        %parallel_loop3A_864 = arith.index_cast %parallel_loop3A_853 : i32 to index
        %parallel_loop3A_865 = arith.constant 0 : index
        %parallel_loop3A_866 = tpu.vector_load %arg7[%parallel_loop3A_863, %parallel_loop3A_864, %parallel_loop3A_865] {strides = array<i32>} : memref<4x96x128xf32, #tpu.memory_space<vmem>>, vector<1x1x16xf32>,
        %parallel_loop3A_867 = vector.shape_cast %parallel_loop3A_866 : vector<1x1x16xf32> to vector<16xf32>
        %parallel_loop3A_868 = arith.addf %parallel_loop3A_854, %parallel_loop3A_867 : vector<16xf32>
        %parallel_loop3A_869 = arith.constant 1 : i32
        %parallel_loop3A_870 = arith.index_cast %parallel_loop3A_869 : i32 to index
        %parallel_loop3A_871 = arith.index_cast %parallel_loop3A_853 : i32 to index
        %parallel_loop3A_872 = arith.constant 16 : index
        %parallel_loop3A_873 = tpu.vector_load %arg7[%parallel_loop3A_870, %parallel_loop3A_871, %parallel_loop3A_872] {strides = array<i32>} : memref<4x96x128xf32, #tpu.memory_space<vmem>>, vector<1x1x16xf32>,
        %parallel_loop3A_874 = vector.shape_cast %parallel_loop3A_873 : vector<1x1x16xf32> to vector<16xf32>
        %parallel_loop3A_875 = arith.addf %parallel_loop3A_855, %parallel_loop3A_874 : vector<16xf32>
        %parallel_loop3A_876 = arith.constant 1 : i32
        %parallel_loop3A_877 = arith.index_cast %parallel_loop3A_876 : i32 to index
        %parallel_loop3A_878 = arith.index_cast %parallel_loop3A_853 : i32 to index
        %parallel_loop3A_879 = arith.constant 32 : index
        %parallel_loop3A_880 = tpu.vector_load %arg7[%parallel_loop3A_877, %parallel_loop3A_878, %parallel_loop3A_879] {strides = array<i32>} : memref<4x96x128xf32, #tpu.memory_space<vmem>>, vector<1x1x16xf32>,
        %parallel_loop3A_881 = vector.shape_cast %parallel_loop3A_880 : vector<1x1x16xf32> to vector<16xf32>
        %parallel_loop3A_882 = arith.addf %parallel_loop3A_856, %parallel_loop3A_881 : vector<16xf32>
        %parallel_loop3A_883 = arith.constant 1 : i32
        %parallel_loop3A_884 = arith.index_cast %parallel_loop3A_883 : i32 to index
        %parallel_loop3A_885 = arith.index_cast %parallel_loop3A_853 : i32 to index
        %parallel_loop3A_886 = arith.constant 48 : index
        %parallel_loop3A_887 = tpu.vector_load %arg7[%parallel_loop3A_884, %parallel_loop3A_885, %parallel_loop3A_886] {strides = array<i32>} : memref<4x96x128xf32, #tpu.memory_space<vmem>>, vector<1x1x16xf32>,
        %parallel_loop3A_888 = vector.shape_cast %parallel_loop3A_887 : vector<1x1x16xf32> to vector<16xf32>
        %parallel_loop3A_889 = arith.addf %parallel_loop3A_857, %parallel_loop3A_888 : vector<16xf32>
        %parallel_loop3A_890 = arith.constant 1 : i32
        %parallel_loop3A_891 = arith.index_cast %parallel_loop3A_890 : i32 to index
        %parallel_loop3A_892 = arith.index_cast %parallel_loop3A_853 : i32 to index
        %parallel_loop3A_893 = arith.constant 64 : index
        %parallel_loop3A_894 = tpu.vector_load %arg7[%parallel_loop3A_891, %parallel_loop3A_892, %parallel_loop3A_893] {strides = array<i32>} : memref<4x96x128xf32, #tpu.memory_space<vmem>>, vector<1x1x16xf32>,
        %parallel_loop3A_895 = vector.shape_cast %parallel_loop3A_894 : vector<1x1x16xf32> to vector<16xf32>
        %parallel_loop3A_896 = arith.addf %parallel_loop3A_858, %parallel_loop3A_895 : vector<16xf32>
        %parallel_loop3A_897 = arith.constant 1 : i32
        %parallel_loop3A_898 = arith.index_cast %parallel_loop3A_897 : i32 to index
        %parallel_loop3A_899 = arith.index_cast %parallel_loop3A_853 : i32 to index
        %parallel_loop3A_900 = arith.constant 80 : index
        %parallel_loop3A_901 = tpu.vector_load %arg7[%parallel_loop3A_898, %parallel_loop3A_899, %parallel_loop3A_900] {strides = array<i32>} : memref<4x96x128xf32, #tpu.memory_space<vmem>>, vector<1x1x16xf32>,
        %parallel_loop3A_902 = vector.shape_cast %parallel_loop3A_901 : vector<1x1x16xf32> to vector<16xf32>
        %parallel_loop3A_903 = arith.addf %parallel_loop3A_859, %parallel_loop3A_902 : vector<16xf32>
        %parallel_loop3A_904 = arith.constant 1 : i32
        %parallel_loop3A_905 = arith.index_cast %parallel_loop3A_904 : i32 to index
        %parallel_loop3A_906 = arith.index_cast %parallel_loop3A_853 : i32 to index
        %parallel_loop3A_907 = arith.constant 96 : index
        %parallel_loop3A_908 = tpu.vector_load %arg7[%parallel_loop3A_905, %parallel_loop3A_906, %parallel_loop3A_907] {strides = array<i32>} : memref<4x96x128xf32, #tpu.memory_space<vmem>>, vector<1x1x16xf32>,
        %parallel_loop3A_909 = vector.shape_cast %parallel_loop3A_908 : vector<1x1x16xf32> to vector<16xf32>
        %parallel_loop3A_910 = arith.addf %parallel_loop3A_860, %parallel_loop3A_909 : vector<16xf32>
        %parallel_loop3A_911 = arith.constant 1 : i32
        %parallel_loop3A_912 = arith.index_cast %parallel_loop3A_911 : i32 to index
        %parallel_loop3A_913 = arith.index_cast %parallel_loop3A_853 : i32 to index
        %parallel_loop3A_914 = arith.constant 112 : index
        %parallel_loop3A_915 = tpu.vector_load %arg7[%parallel_loop3A_912, %parallel_loop3A_913, %parallel_loop3A_914] {strides = array<i32>} : memref<4x96x128xf32, #tpu.memory_space<vmem>>, vector<1x1x16xf32>,
        %parallel_loop3A_916 = vector.shape_cast %parallel_loop3A_915 : vector<1x1x16xf32> to vector<16xf32>
        %parallel_loop3A_917 = arith.addf %parallel_loop3A_861, %parallel_loop3A_916 : vector<16xf32>
        scf.yield %parallel_loop3A_868, %parallel_loop3A_875, %parallel_loop3A_882, %parallel_loop3A_889, %parallel_loop3A_896, %parallel_loop3A_903, %parallel_loop3A_910, %parallel_loop3A_917 : vector<16xf32>, vector<16xf32>, vector<16xf32>, vector<16xf32>, vector<16xf32>, vector<16xf32>, vector<16xf32>, vector<16xf32>
      } {sc.loop_unroll_factor = 16 : i64, sc.parallel_access}
      %get3A_282 = arith.constant 0 : index
      %get3A_283 = tpu.vector_load %arg8[%get3A_282] {strides = array<i32>} : memref<128xf32, #tpu.memory_space<vmem>>, vector<16xf32>,
      %get3A_284 = vector.shape_cast %get3A_283 : vector<16xf32> to vector<16xf32>
      %add3A_285 = arith.addf %parallel_loop3A_281#0, %get3A_284 : vector<16xf32>
      %neg3A_286 = arith.constant 0.000000e+00 : f32
      %neg3A_287 = vector.broadcast %neg3A_286 : f32 to vector<16xf32>
      %neg3A_288 = arith.subf %neg3A_287, %add3A_285 : vector<16xf32>
      %exp3A_289 = math.exp %neg3A_288 : vector<16xf32>
      %add3A_290 = arith.constant 1.000000e+00 : f32
      %add3A_291 = vector.broadcast %add3A_290 : f32 to vector<16xf32>
      %add3A_292 = arith.addf %add3A_291, %exp3A_289 : vector<16xf32>
      %div3A_293 = arith.constant 1.000000e+00 : f32
      %div3A_294 = vector.broadcast %div3A_293 : f32 to vector<16xf32>
      %div3A_295 = arith.divf %div3A_294, %add3A_292 : vector<16xf32>
      %mul3A_296 = arith.mulf %add3A_285, %div3A_295 : vector<16xf32>
      %swap3A_297 = arith.index_cast %add3A_250 : i32 to index
      %swap3A_298 = arith.constant 0 : index
      %swap3A_299 = tpu.vector_load %arg9[%swap3A_297, %swap3A_298] {strides = array<i32>} : memref<32x128xf32, #tpu.memory_space<vmem>>, vector<1x16xf32>,
      %swap3A_300 = vector.shape_cast %swap3A_299 : vector<1x16xf32> to vector<16xf32>
      %swap3A_301 = vector.shape_cast %mul3A_296 : vector<16xf32> to vector<1x16xf32>
      tpu.vector_store %arg9[%swap3A_297, %swap3A_298], %swap3A_301 {strides = array<i32>} : memref<32x128xf32, #tpu.memory_space<vmem>>, vector<1x16xf32>,
      %get3A_302 = arith.constant 16 : index
      %get3A_303 = tpu.vector_load %arg8[%get3A_302] {strides = array<i32>} : memref<128xf32, #tpu.memory_space<vmem>>, vector<16xf32>,
      %get3A_304 = vector.shape_cast %get3A_303 : vector<16xf32> to vector<16xf32>
      %add3A_305 = arith.addf %parallel_loop3A_281#1, %get3A_304 : vector<16xf32>
      %neg3A_306 = arith.constant 0.000000e+00 : f32
      %neg3A_307 = vector.broadcast %neg3A_306 : f32 to vector<16xf32>
      %neg3A_308 = arith.subf %neg3A_307, %add3A_305 : vector<16xf32>
      %exp3A_309 = math.exp %neg3A_308 : vector<16xf32>
      %add3A_310 = arith.constant 1.000000e+00 : f32
      %add3A_311 = vector.broadcast %add3A_310 : f32 to vector<16xf32>
      %add3A_312 = arith.addf %add3A_311, %exp3A_309 : vector<16xf32>
      %div3A_313 = arith.constant 1.000000e+00 : f32
      %div3A_314 = vector.broadcast %div3A_313 : f32 to vector<16xf32>
      %div3A_315 = arith.divf %div3A_314, %add3A_312 : vector<16xf32>
      %mul3A_316 = arith.mulf %add3A_305, %div3A_315 : vector<16xf32>
      %swap3A_317 = arith.index_cast %add3A_250 : i32 to index
      %swap3A_318 = arith.constant 16 : index
      %swap3A_319 = tpu.vector_load %arg9[%swap3A_317, %swap3A_318] {strides = array<i32>} : memref<32x128xf32, #tpu.memory_space<vmem>>, vector<1x16xf32>,
      %swap3A_320 = vector.shape_cast %swap3A_319 : vector<1x16xf32> to vector<16xf32>
      %swap3A_321 = vector.shape_cast %mul3A_316 : vector<16xf32> to vector<1x16xf32>
      tpu.vector_store %arg9[%swap3A_317, %swap3A_318], %swap3A_321 {strides = array<i32>} : memref<32x128xf32, #tpu.memory_space<vmem>>, vector<1x16xf32>,
      %get3A_322 = arith.constant 32 : index
      %get3A_323 = tpu.vector_load %arg8[%get3A_322] {strides = array<i32>} : memref<128xf32, #tpu.memory_space<vmem>>, vector<16xf32>,
      %get3A_324 = vector.shape_cast %get3A_323 : vector<16xf32> to vector<16xf32>
      %add3A_325 = arith.addf %parallel_loop3A_281#2, %get3A_324 : vector<16xf32>
      %neg3A_326 = arith.constant 0.000000e+00 : f32
      %neg3A_327 = vector.broadcast %neg3A_326 : f32 to vector<16xf32>
      %neg3A_328 = arith.subf %neg3A_327, %add3A_325 : vector<16xf32>
      %exp3A_329 = math.exp %neg3A_328 : vector<16xf32>
      %add3A_330 = arith.constant 1.000000e+00 : f32
      %add3A_331 = vector.broadcast %add3A_330 : f32 to vector<16xf32>
      %add3A_332 = arith.addf %add3A_331, %exp3A_329 : vector<16xf32>
      %div3A_333 = arith.constant 1.000000e+00 : f32
      %div3A_334 = vector.broadcast %div3A_333 : f32 to vector<16xf32>
      %div3A_335 = arith.divf %div3A_334, %add3A_332 : vector<16xf32>
      %mul3A_336 = arith.mulf %add3A_325, %div3A_335 : vector<16xf32>
      %swap3A_337 = arith.index_cast %add3A_250 : i32 to index
      %swap3A_338 = arith.constant 32 : index
      %swap3A_339 = tpu.vector_load %arg9[%swap3A_337, %swap3A_338] {strides = array<i32>} : memref<32x128xf32, #tpu.memory_space<vmem>>, vector<1x16xf32>,
      %swap3A_340 = vector.shape_cast %swap3A_339 : vector<1x16xf32> to vector<16xf32>
      %swap3A_341 = vector.shape_cast %mul3A_336 : vector<16xf32> to vector<1x16xf32>
      tpu.vector_store %arg9[%swap3A_337, %swap3A_338], %swap3A_341 {strides = array<i32>} : memref<32x128xf32, #tpu.memory_space<vmem>>, vector<1x16xf32>,
      %get3A_342 = arith.constant 48 : index
      %get3A_343 = tpu.vector_load %arg8[%get3A_342] {strides = array<i32>} : memref<128xf32, #tpu.memory_space<vmem>>, vector<16xf32>,
      %get3A_344 = vector.shape_cast %get3A_343 : vector<16xf32> to vector<16xf32>
      %add3A_345 = arith.addf %parallel_loop3A_281#3, %get3A_344 : vector<16xf32>
      %neg3A_346 = arith.constant 0.000000e+00 : f32
      %neg3A_347 = vector.broadcast %neg3A_346 : f32 to vector<16xf32>
      %neg3A_348 = arith.subf %neg3A_347, %add3A_345 : vector<16xf32>
      %exp3A_349 = math.exp %neg3A_348 : vector<16xf32>
      %add3A_350 = arith.constant 1.000000e+00 : f32
      %add3A_351 = vector.broadcast %add3A_350 : f32 to vector<16xf32>
      %add3A_352 = arith.addf %add3A_351, %exp3A_349 : vector<16xf32>
      %div3A_353 = arith.constant 1.000000e+00 : f32
      %div3A_354 = vector.broadcast %div3A_353 : f32 to vector<16xf32>
      %div3A_355 = arith.divf %div3A_354, %add3A_352 : vector<16xf32>
      %mul3A_356 = arith.mulf %add3A_345, %div3A_355 : vector<16xf32>
      %swap3A_357 = arith.index_cast %add3A_250 : i32 to index
      %swap3A_358 = arith.constant 48 : index
      %swap3A_359 = tpu.vector_load %arg9[%swap3A_357, %swap3A_358] {strides = array<i32>} : memref<32x128xf32, #tpu.memory_space<vmem>>, vector<1x16xf32>,
      %swap3A_360 = vector.shape_cast %swap3A_359 : vector<1x16xf32> to vector<16xf32>
      %swap3A_361 = vector.shape_cast %mul3A_356 : vector<16xf32> to vector<1x16xf32>
      tpu.vector_store %arg9[%swap3A_357, %swap3A_358], %swap3A_361 {strides = array<i32>} : memref<32x128xf32, #tpu.memory_space<vmem>>, vector<1x16xf32>,
      %get3A_362 = arith.constant 64 : index
      %get3A_363 = tpu.vector_load %arg8[%get3A_362] {strides = array<i32>} : memref<128xf32, #tpu.memory_space<vmem>>, vector<16xf32>,
      %get3A_364 = vector.shape_cast %get3A_363 : vector<16xf32> to vector<16xf32>
      %add3A_365 = arith.addf %parallel_loop3A_281#4, %get3A_364 : vector<16xf32>
      %neg3A_366 = arith.constant 0.000000e+00 : f32
      %neg3A_367 = vector.broadcast %neg3A_366 : f32 to vector<16xf32>
      %neg3A_368 = arith.subf %neg3A_367, %add3A_365 : vector<16xf32>
      %exp3A_369 = math.exp %neg3A_368 : vector<16xf32>
      %add3A_370 = arith.constant 1.000000e+00 : f32
      %add3A_371 = vector.broadcast %add3A_370 : f32 to vector<16xf32>
      %add3A_372 = arith.addf %add3A_371, %exp3A_369 : vector<16xf32>
      %div3A_373 = arith.constant 1.000000e+00 : f32
      %div3A_374 = vector.broadcast %div3A_373 : f32 to vector<16xf32>
      %div3A_375 = arith.divf %div3A_374, %add3A_372 : vector<16xf32>
      %mul3A_376 = arith.mulf %add3A_365, %div3A_375 : vector<16xf32>
      %swap3A_377 = arith.index_cast %add3A_250 : i32 to index
      %swap3A_378 = arith.constant 64 : index
      %swap3A_379 = tpu.vector_load %arg9[%swap3A_377, %swap3A_378] {strides = array<i32>} : memref<32x128xf32, #tpu.memory_space<vmem>>, vector<1x16xf32>,
      %swap3A_380 = vector.shape_cast %swap3A_379 : vector<1x16xf32> to vector<16xf32>
      %swap3A_381 = vector.shape_cast %mul3A_376 : vector<16xf32> to vector<1x16xf32>
      tpu.vector_store %arg9[%swap3A_377, %swap3A_378], %swap3A_381 {strides = array<i32>} : memref<32x128xf32, #tpu.memory_space<vmem>>, vector<1x16xf32>,
      %get3A_382 = arith.constant 80 : index
      %get3A_383 = tpu.vector_load %arg8[%get3A_382] {strides = array<i32>} : memref<128xf32, #tpu.memory_space<vmem>>, vector<16xf32>,
      %get3A_384 = vector.shape_cast %get3A_383 : vector<16xf32> to vector<16xf32>
      %add3A_385 = arith.addf %parallel_loop3A_281#5, %get3A_384 : vector<16xf32>
      %neg3A_386 = arith.constant 0.000000e+00 : f32
      %neg3A_387 = vector.broadcast %neg3A_386 : f32 to vector<16xf32>
      %neg3A_388 = arith.subf %neg3A_387, %add3A_385 : vector<16xf32>
      %exp3A_389 = math.exp %neg3A_388 : vector<16xf32>
      %add3A_390 = arith.constant 1.000000e+00 : f32
      %add3A_391 = vector.broadcast %add3A_390 : f32 to vector<16xf32>
      %add3A_392 = arith.addf %add3A_391, %exp3A_389 : vector<16xf32>
      %div3A_393 = arith.constant 1.000000e+00 : f32
      %div3A_394 = vector.broadcast %div3A_393 : f32 to vector<16xf32>
      %div3A_395 = arith.divf %div3A_394, %add3A_392 : vector<16xf32>
      %mul3A_396 = arith.mulf %add3A_385, %div3A_395 : vector<16xf32>
      %swap3A_397 = arith.index_cast %add3A_250 : i32 to index
      %swap3A_398 = arith.constant 80 : index
      %swap3A_399 = tpu.vector_load %arg9[%swap3A_397, %swap3A_398] {strides = array<i32>} : memref<32x128xf32, #tpu.memory_space<vmem>>, vector<1x16xf32>,
      %swap3A_400 = vector.shape_cast %swap3A_399 : vector<1x16xf32> to vector<16xf32>
      %swap3A_401 = vector.shape_cast %mul3A_396 : vector<16xf32> to vector<1x16xf32>
      tpu.vector_store %arg9[%swap3A_397, %swap3A_398], %swap3A_401 {strides = array<i32>} : memref<32x128xf32, #tpu.memory_space<vmem>>, vector<1x16xf32>,
      %get3A_402 = arith.constant 96 : index
      %get3A_403 = tpu.vector_load %arg8[%get3A_402] {strides = array<i32>} : memref<128xf32, #tpu.memory_space<vmem>>, vector<16xf32>,
      %get3A_404 = vector.shape_cast %get3A_403 : vector<16xf32> to vector<16xf32>
      %add3A_405 = arith.addf %parallel_loop3A_281#6, %get3A_404 : vector<16xf32>
      %neg3A_406 = arith.constant 0.000000e+00 : f32
      %neg3A_407 = vector.broadcast %neg3A_406 : f32 to vector<16xf32>
      %neg3A_408 = arith.subf %neg3A_407, %add3A_405 : vector<16xf32>
      %exp3A_409 = math.exp %neg3A_408 : vector<16xf32>
      %add3A_410 = arith.constant 1.000000e+00 : f32
      %add3A_411 = vector.broadcast %add3A_410 : f32 to vector<16xf32>
      %add3A_412 = arith.addf %add3A_411, %exp3A_409 : vector<16xf32>
      %div3A_413 = arith.constant 1.000000e+00 : f32
      %div3A_414 = vector.broadcast %div3A_413 : f32 to vector<16xf32>
      %div3A_415 = arith.divf %div3A_414, %add3A_412 : vector<16xf32>
      %mul3A_416 = arith.mulf %add3A_405, %div3A_415 : vector<16xf32>
      %swap3A_417 = arith.index_cast %add3A_250 : i32 to index
      %swap3A_418 = arith.constant 96 : index
      %swap3A_419 = tpu.vector_load %arg9[%swap3A_417, %swap3A_418] {strides = array<i32>} : memref<32x128xf32, #tpu.memory_space<vmem>>, vector<1x16xf32>,
      %swap3A_420 = vector.shape_cast %swap3A_419 : vector<1x16xf32> to vector<16xf32>
      %swap3A_421 = vector.shape_cast %mul3A_416 : vector<16xf32> to vector<1x16xf32>
      tpu.vector_store %arg9[%swap3A_417, %swap3A_418], %swap3A_421 {strides = array<i32>} : memref<32x128xf32, #tpu.memory_space<vmem>>, vector<1x16xf32>,
      %get3A_422 = arith.constant 112 : index
      %get3A_423 = tpu.vector_load %arg8[%get3A_422] {strides = array<i32>} : memref<128xf32, #tpu.memory_space<vmem>>, vector<16xf32>,
      %get3A_424 = vector.shape_cast %get3A_423 : vector<16xf32> to vector<16xf32>
      %add3A_425 = arith.addf %parallel_loop3A_281#7, %get3A_424 : vector<16xf32>
      %neg3A_426 = arith.constant 0.000000e+00 : f32
      %neg3A_427 = vector.broadcast %neg3A_426 : f32 to vector<16xf32>
      %neg3A_428 = arith.subf %neg3A_427, %add3A_425 : vector<16xf32>
      %exp3A_429 = math.exp %neg3A_428 : vector<16xf32>
      %add3A_430 = arith.constant 1.000000e+00 : f32
      %add3A_431 = vector.broadcast %add3A_430 : f32 to vector<16xf32>
      %add3A_432 = arith.addf %add3A_431, %exp3A_429 : vector<16xf32>
      %div3A_433 = arith.constant 1.000000e+00 : f32
      %div3A_434 = vector.broadcast %div3A_433 : f32 to vector<16xf32>
      %div3A_435 = arith.divf %div3A_434, %add3A_432 : vector<16xf32>
      %mul3A_436 = arith.mulf %add3A_425, %div3A_435 : vector<16xf32>
      %swap3A_437 = arith.index_cast %add3A_250 : i32 to index
      %swap3A_438 = arith.constant 112 : index
      %swap3A_439 = tpu.vector_load %arg9[%swap3A_437, %swap3A_438] {strides = array<i32>} : memref<32x128xf32, #tpu.memory_space<vmem>>, vector<1x16xf32>,
      %swap3A_440 = vector.shape_cast %swap3A_439 : vector<1x16xf32> to vector<16xf32>
      %swap3A_441 = vector.shape_cast %mul3A_436 : vector<16xf32> to vector<1x16xf32>
      tpu.vector_store %arg9[%swap3A_437, %swap3A_438], %swap3A_441 {strides = array<i32>} : memref<32x128xf32, #tpu.memory_space<vmem>>, vector<1x16xf32>,
      %add3A_442 = arith.constant 4 : i32
      %add3A_443 = arith.addi %add3A_250, %add3A_442 : i32
      %lt3A_444 = arith.constant 32 : i32
      %lt3A_445 = arith.cmpi slt, %add3A_443, %lt3A_444 : i32
      %convert_element_type3A_446 = arith.extui %lt3A_445 : i1 to i32
      %cond3A_447 = arith.constant 0 : i32
      %cond3A_448 = arith.cmpi ne, %convert_element_type3A_446, %cond3A_447 : i32
      scf.if %cond3A_448 {
        %add3A_853 = arith.constant 4 : i32
        %add3A_854 = arith.addi %add3A_250, %add3A_853 : i32
        %dma_start3A_855 = arith.constant 1 : i32
        %dma_start3A_856 = arith.constant 0 : i32
        %dma_start3A_857 = arith.constant 0 : i32
        %dma_start3A_858 = tpu.memref_slice %arg7[%dma_start3A_855, %dma_start3A_856, %dma_start3A_857] : memref<4x96x128xf32, #tpu.memory_space<vmem>> -> memref<1x96x128xf32, #tpu.memory_space<vmem>>
        %dma_start3A_859 = tpu.memref_squeeze %dma_start3A_858 : memref<1x96x128xf32, #tpu.memory_space<vmem>> -> memref<96x128xf32, #tpu.memory_space<vmem>>
        %dma_start3A_860 = arith.constant 0 : i32
        %dma_start3A_861 = tpu.memref_slice %arg6[%add3A_854, %dma_start3A_860] : memref<32x96xi32, #tpu.memory_space<vmem>> -> memref<1x96xi32, #tpu.memory_space<vmem>>
        %dma_start3A_862 = tpu.memref_squeeze %dma_start3A_861 : memref<1x96xi32, #tpu.memory_space<vmem>> -> memref<96xi32, #tpu.memory_space<vmem>>
        %dma_start3A_863 = arith.constant 0 : i32
        %dma_start3A_864 = arith.constant 0 : i32
        %dma_start3A_865 = tpu.memref_slice %arg2[%dma_start3A_863, %dma_start3A_864] : memref<100000x128xf32, #tpu.memory_space<hbm>> -> memref<100000x128xf32, #tpu.memory_space<hbm>>
        tpu.enqueue_indirect_dma source(%dma_start3A_865 : memref<100000x128xf32, #tpu.memory_space<hbm>>) target(%dma_start3A_859 : memref<96x128xf32, #tpu.memory_space<vmem>>) offsets(%dma_start3A_862 : memref<96xi32, #tpu.memory_space<vmem>>) semaphore(%arg11 : memref<!tpu.dma_semaphore, #tpu.memory_space<semaphore_mem>>)
      } else {
      }
      %mul3A_449 = arith.constant 4 : i32
      %mul3A_450 = arith.muli %scan3A_55, %mul3A_449 : i32
      %add3A_451 = arith.constant 2 : i32
      %add3A_452 = arith.addi %mul3A_450, %add3A_451 : i32
      %dma_wait3A_453 = arith.constant 2 : i32
      %dma_wait3A_454 = arith.constant 0 : i32
      %dma_wait3A_455 = arith.constant 0 : i32
      %dma_wait3A_456 = tpu.memref_slice %arg7[%dma_wait3A_453, %dma_wait3A_454, %dma_wait3A_455] : memref<4x96x128xf32, #tpu.memory_space<vmem>> -> memref<1x96x128xf32, #tpu.memory_space<vmem>>
      %dma_wait3A_457 = tpu.memref_squeeze %dma_wait3A_456 : memref<1x96x128xf32, #tpu.memory_space<vmem>> -> memref<96x128xf32, #tpu.memory_space<vmem>>
      %dma_wait3A_458 = arith.constant 0 : i32
      %dma_wait3A_459 = tpu.memref_slice %arg6[%add3A_452, %dma_wait3A_458] : memref<32x96xi32, #tpu.memory_space<vmem>> -> memref<1x96xi32, #tpu.memory_space<vmem>>
      %dma_wait3A_460 = tpu.memref_squeeze %dma_wait3A_459 : memref<1x96xi32, #tpu.memory_space<vmem>> -> memref<96xi32, #tpu.memory_space<vmem>>
      %dma_wait3A_461 = arith.constant 0 : i32
      %dma_wait3A_462 = arith.constant 0 : i32
      %dma_wait3A_463 = tpu.memref_slice %arg2[%dma_wait3A_461, %dma_wait3A_462] : memref<100000x128xf32, #tpu.memory_space<hbm>> -> memref<100000x128xf32, #tpu.memory_space<hbm>>
      tpu.wait_indirect_dma semaphore(%arg12 : memref<!tpu.dma_semaphore, #tpu.memory_space<semaphore_mem>>) src(%dma_wait3A_463 : memref<100000x128xf32, #tpu.memory_space<hbm>>) dst(%dma_wait3A_457 : memref<96x128xf32, #tpu.memory_space<vmem>>)
      %broadcast_in_dim3A_464 = arith.constant 0.000000e+00 : f32
      %broadcast_in_dim3A_465 = vector.broadcast %broadcast_in_dim3A_464 : f32 to vector<16xf32>
      %broadcast_in_dim3A_466 = arith.constant 0.000000e+00 : f32
      %broadcast_in_dim3A_467 = vector.broadcast %broadcast_in_dim3A_466 : f32 to vector<16xf32>
      %broadcast_in_dim3A_468 = arith.constant 0.000000e+00 : f32
      %broadcast_in_dim3A_469 = vector.broadcast %broadcast_in_dim3A_468 : f32 to vector<16xf32>
      %broadcast_in_dim3A_470 = arith.constant 0.000000e+00 : f32
      %broadcast_in_dim3A_471 = vector.broadcast %broadcast_in_dim3A_470 : f32 to vector<16xf32>
      %broadcast_in_dim3A_472 = arith.constant 0.000000e+00 : f32
      %broadcast_in_dim3A_473 = vector.broadcast %broadcast_in_dim3A_472 : f32 to vector<16xf32>
      %broadcast_in_dim3A_474 = arith.constant 0.000000e+00 : f32
      %broadcast_in_dim3A_475 = vector.broadcast %broadcast_in_dim3A_474 : f32 to vector<16xf32>
      %broadcast_in_dim3A_476 = arith.constant 0.000000e+00 : f32
      %broadcast_in_dim3A_477 = vector.broadcast %broadcast_in_dim3A_476 : f32 to vector<16xf32>
      %broadcast_in_dim3A_478 = arith.constant 0.000000e+00 : f32
      %broadcast_in_dim3A_479 = vector.broadcast %broadcast_in_dim3A_478 : f32 to vector<16xf32>
      %parallel_loop3A_480 = arith.constant 0 : i32
      %parallel_loop3A_481 = arith.constant 96 : i32
      %parallel_loop3A_482 = arith.constant 1 : i32
      %parallel_loop3A_483:8 = scf.for %parallel_loop3A_853 = %parallel_loop3A_480 to %parallel_loop3A_481 step %parallel_loop3A_482 iter_args(%parallel_loop3A_854 = %broadcast_in_dim3A_465, %parallel_loop3A_855 = %broadcast_in_dim3A_467, %parallel_loop3A_856 = %broadcast_in_dim3A_469, %parallel_loop3A_857 = %broadcast_in_dim3A_471, %parallel_loop3A_858 = %broadcast_in_dim3A_473, %parallel_loop3A_859 = %broadcast_in_dim3A_475, %parallel_loop3A_860 = %broadcast_in_dim3A_477, %parallel_loop3A_861 = %broadcast_in_dim3A_479) -> (vector<16xf32>, vector<16xf32>, vector<16xf32>, vector<16xf32>, vector<16xf32>, vector<16xf32>, vector<16xf32>, vector<16xf32>)  : i32 {
        %parallel_loop3A_862 = arith.constant 2 : i32
        %parallel_loop3A_863 = arith.index_cast %parallel_loop3A_862 : i32 to index
        %parallel_loop3A_864 = arith.index_cast %parallel_loop3A_853 : i32 to index
        %parallel_loop3A_865 = arith.constant 0 : index
        %parallel_loop3A_866 = tpu.vector_load %arg7[%parallel_loop3A_863, %parallel_loop3A_864, %parallel_loop3A_865] {strides = array<i32>} : memref<4x96x128xf32, #tpu.memory_space<vmem>>, vector<1x1x16xf32>,
        %parallel_loop3A_867 = vector.shape_cast %parallel_loop3A_866 : vector<1x1x16xf32> to vector<16xf32>
        %parallel_loop3A_868 = arith.addf %parallel_loop3A_854, %parallel_loop3A_867 : vector<16xf32>
        %parallel_loop3A_869 = arith.constant 2 : i32
        %parallel_loop3A_870 = arith.index_cast %parallel_loop3A_869 : i32 to index
        %parallel_loop3A_871 = arith.index_cast %parallel_loop3A_853 : i32 to index
        %parallel_loop3A_872 = arith.constant 16 : index
        %parallel_loop3A_873 = tpu.vector_load %arg7[%parallel_loop3A_870, %parallel_loop3A_871, %parallel_loop3A_872] {strides = array<i32>} : memref<4x96x128xf32, #tpu.memory_space<vmem>>, vector<1x1x16xf32>,
        %parallel_loop3A_874 = vector.shape_cast %parallel_loop3A_873 : vector<1x1x16xf32> to vector<16xf32>
        %parallel_loop3A_875 = arith.addf %parallel_loop3A_855, %parallel_loop3A_874 : vector<16xf32>
        %parallel_loop3A_876 = arith.constant 2 : i32
        %parallel_loop3A_877 = arith.index_cast %parallel_loop3A_876 : i32 to index
        %parallel_loop3A_878 = arith.index_cast %parallel_loop3A_853 : i32 to index
        %parallel_loop3A_879 = arith.constant 32 : index
        %parallel_loop3A_880 = tpu.vector_load %arg7[%parallel_loop3A_877, %parallel_loop3A_878, %parallel_loop3A_879] {strides = array<i32>} : memref<4x96x128xf32, #tpu.memory_space<vmem>>, vector<1x1x16xf32>,
        %parallel_loop3A_881 = vector.shape_cast %parallel_loop3A_880 : vector<1x1x16xf32> to vector<16xf32>
        %parallel_loop3A_882 = arith.addf %parallel_loop3A_856, %parallel_loop3A_881 : vector<16xf32>
        %parallel_loop3A_883 = arith.constant 2 : i32
        %parallel_loop3A_884 = arith.index_cast %parallel_loop3A_883 : i32 to index
        %parallel_loop3A_885 = arith.index_cast %parallel_loop3A_853 : i32 to index
        %parallel_loop3A_886 = arith.constant 48 : index
        %parallel_loop3A_887 = tpu.vector_load %arg7[%parallel_loop3A_884, %parallel_loop3A_885, %parallel_loop3A_886] {strides = array<i32>} : memref<4x96x128xf32, #tpu.memory_space<vmem>>, vector<1x1x16xf32>,
        %parallel_loop3A_888 = vector.shape_cast %parallel_loop3A_887 : vector<1x1x16xf32> to vector<16xf32>
        %parallel_loop3A_889 = arith.addf %parallel_loop3A_857, %parallel_loop3A_888 : vector<16xf32>
        %parallel_loop3A_890 = arith.constant 2 : i32
        %parallel_loop3A_891 = arith.index_cast %parallel_loop3A_890 : i32 to index
        %parallel_loop3A_892 = arith.index_cast %parallel_loop3A_853 : i32 to index
        %parallel_loop3A_893 = arith.constant 64 : index
        %parallel_loop3A_894 = tpu.vector_load %arg7[%parallel_loop3A_891, %parallel_loop3A_892, %parallel_loop3A_893] {strides = array<i32>} : memref<4x96x128xf32, #tpu.memory_space<vmem>>, vector<1x1x16xf32>,
        %parallel_loop3A_895 = vector.shape_cast %parallel_loop3A_894 : vector<1x1x16xf32> to vector<16xf32>
        %parallel_loop3A_896 = arith.addf %parallel_loop3A_858, %parallel_loop3A_895 : vector<16xf32>
        %parallel_loop3A_897 = arith.constant 2 : i32
        %parallel_loop3A_898 = arith.index_cast %parallel_loop3A_897 : i32 to index
        %parallel_loop3A_899 = arith.index_cast %parallel_loop3A_853 : i32 to index
        %parallel_loop3A_900 = arith.constant 80 : index
        %parallel_loop3A_901 = tpu.vector_load %arg7[%parallel_loop3A_898, %parallel_loop3A_899, %parallel_loop3A_900] {strides = array<i32>} : memref<4x96x128xf32, #tpu.memory_space<vmem>>, vector<1x1x16xf32>,
        %parallel_loop3A_902 = vector.shape_cast %parallel_loop3A_901 : vector<1x1x16xf32> to vector<16xf32>
        %parallel_loop3A_903 = arith.addf %parallel_loop3A_859, %parallel_loop3A_902 : vector<16xf32>
        %parallel_loop3A_904 = arith.constant 2 : i32
        %parallel_loop3A_905 = arith.index_cast %parallel_loop3A_904 : i32 to index
        %parallel_loop3A_906 = arith.index_cast %parallel_loop3A_853 : i32 to index
        %parallel_loop3A_907 = arith.constant 96 : index
        %parallel_loop3A_908 = tpu.vector_load %arg7[%parallel_loop3A_905, %parallel_loop3A_906, %parallel_loop3A_907] {strides = array<i32>} : memref<4x96x128xf32, #tpu.memory_space<vmem>>, vector<1x1x16xf32>,
        %parallel_loop3A_909 = vector.shape_cast %parallel_loop3A_908 : vector<1x1x16xf32> to vector<16xf32>
        %parallel_loop3A_910 = arith.addf %parallel_loop3A_860, %parallel_loop3A_909 : vector<16xf32>
        %parallel_loop3A_911 = arith.constant 2 : i32
        %parallel_loop3A_912 = arith.index_cast %parallel_loop3A_911 : i32 to index
        %parallel_loop3A_913 = arith.index_cast %parallel_loop3A_853 : i32 to index
        %parallel_loop3A_914 = arith.constant 112 : index
        %parallel_loop3A_915 = tpu.vector_load %arg7[%parallel_loop3A_912, %parallel_loop3A_913, %parallel_loop3A_914] {strides = array<i32>} : memref<4x96x128xf32, #tpu.memory_space<vmem>>, vector<1x1x16xf32>,
        %parallel_loop3A_916 = vector.shape_cast %parallel_loop3A_915 : vector<1x1x16xf32> to vector<16xf32>
        %parallel_loop3A_917 = arith.addf %parallel_loop3A_861, %parallel_loop3A_916 : vector<16xf32>
        scf.yield %parallel_loop3A_868, %parallel_loop3A_875, %parallel_loop3A_882, %parallel_loop3A_889, %parallel_loop3A_896, %parallel_loop3A_903, %parallel_loop3A_910, %parallel_loop3A_917 : vector<16xf32>, vector<16xf32>, vector<16xf32>, vector<16xf32>, vector<16xf32>, vector<16xf32>, vector<16xf32>, vector<16xf32>
      } {sc.loop_unroll_factor = 16 : i64, sc.parallel_access}
      %get3A_484 = arith.constant 0 : index
      %get3A_485 = tpu.vector_load %arg8[%get3A_484] {strides = array<i32>} : memref<128xf32, #tpu.memory_space<vmem>>, vector<16xf32>,
      %get3A_486 = vector.shape_cast %get3A_485 : vector<16xf32> to vector<16xf32>
      %add3A_487 = arith.addf %parallel_loop3A_483#0, %get3A_486 : vector<16xf32>
      %neg3A_488 = arith.constant 0.000000e+00 : f32
      %neg3A_489 = vector.broadcast %neg3A_488 : f32 to vector<16xf32>
      %neg3A_490 = arith.subf %neg3A_489, %add3A_487 : vector<16xf32>
      %exp3A_491 = math.exp %neg3A_490 : vector<16xf32>
      %add3A_492 = arith.constant 1.000000e+00 : f32
      %add3A_493 = vector.broadcast %add3A_492 : f32 to vector<16xf32>
      %add3A_494 = arith.addf %add3A_493, %exp3A_491 : vector<16xf32>
      %div3A_495 = arith.constant 1.000000e+00 : f32
      %div3A_496 = vector.broadcast %div3A_495 : f32 to vector<16xf32>
      %div3A_497 = arith.divf %div3A_496, %add3A_494 : vector<16xf32>
      %mul3A_498 = arith.mulf %add3A_487, %div3A_497 : vector<16xf32>
      %swap3A_499 = arith.index_cast %add3A_452 : i32 to index
      %swap3A_500 = arith.constant 0 : index
      %swap3A_501 = tpu.vector_load %arg9[%swap3A_499, %swap3A_500] {strides = array<i32>} : memref<32x128xf32, #tpu.memory_space<vmem>>, vector<1x16xf32>,
      %swap3A_502 = vector.shape_cast %swap3A_501 : vector<1x16xf32> to vector<16xf32>
      %swap3A_503 = vector.shape_cast %mul3A_498 : vector<16xf32> to vector<1x16xf32>
      tpu.vector_store %arg9[%swap3A_499, %swap3A_500], %swap3A_503 {strides = array<i32>} : memref<32x128xf32, #tpu.memory_space<vmem>>, vector<1x16xf32>,
      %get3A_504 = arith.constant 16 : index
      %get3A_505 = tpu.vector_load %arg8[%get3A_504] {strides = array<i32>} : memref<128xf32, #tpu.memory_space<vmem>>, vector<16xf32>,
      %get3A_506 = vector.shape_cast %get3A_505 : vector<16xf32> to vector<16xf32>
      %add3A_507 = arith.addf %parallel_loop3A_483#1, %get3A_506 : vector<16xf32>
      %neg3A_508 = arith.constant 0.000000e+00 : f32
      %neg3A_509 = vector.broadcast %neg3A_508 : f32 to vector<16xf32>
      %neg3A_510 = arith.subf %neg3A_509, %add3A_507 : vector<16xf32>
      %exp3A_511 = math.exp %neg3A_510 : vector<16xf32>
      %add3A_512 = arith.constant 1.000000e+00 : f32
      %add3A_513 = vector.broadcast %add3A_512 : f32 to vector<16xf32>
      %add3A_514 = arith.addf %add3A_513, %exp3A_511 : vector<16xf32>
      %div3A_515 = arith.constant 1.000000e+00 : f32
      %div3A_516 = vector.broadcast %div3A_515 : f32 to vector<16xf32>
      %div3A_517 = arith.divf %div3A_516, %add3A_514 : vector<16xf32>
      %mul3A_518 = arith.mulf %add3A_507, %div3A_517 : vector<16xf32>
      %swap3A_519 = arith.index_cast %add3A_452 : i32 to index
      %swap3A_520 = arith.constant 16 : index
      %swap3A_521 = tpu.vector_load %arg9[%swap3A_519, %swap3A_520] {strides = array<i32>} : memref<32x128xf32, #tpu.memory_space<vmem>>, vector<1x16xf32>,
      %swap3A_522 = vector.shape_cast %swap3A_521 : vector<1x16xf32> to vector<16xf32>
      %swap3A_523 = vector.shape_cast %mul3A_518 : vector<16xf32> to vector<1x16xf32>
      tpu.vector_store %arg9[%swap3A_519, %swap3A_520], %swap3A_523 {strides = array<i32>} : memref<32x128xf32, #tpu.memory_space<vmem>>, vector<1x16xf32>,
      %get3A_524 = arith.constant 32 : index
      %get3A_525 = tpu.vector_load %arg8[%get3A_524] {strides = array<i32>} : memref<128xf32, #tpu.memory_space<vmem>>, vector<16xf32>,
      %get3A_526 = vector.shape_cast %get3A_525 : vector<16xf32> to vector<16xf32>
      %add3A_527 = arith.addf %parallel_loop3A_483#2, %get3A_526 : vector<16xf32>
      %neg3A_528 = arith.constant 0.000000e+00 : f32
      %neg3A_529 = vector.broadcast %neg3A_528 : f32 to vector<16xf32>
      %neg3A_530 = arith.subf %neg3A_529, %add3A_527 : vector<16xf32>
      %exp3A_531 = math.exp %neg3A_530 : vector<16xf32>
      %add3A_532 = arith.constant 1.000000e+00 : f32
      %add3A_533 = vector.broadcast %add3A_532 : f32 to vector<16xf32>
      %add3A_534 = arith.addf %add3A_533, %exp3A_531 : vector<16xf32>
      %div3A_535 = arith.constant 1.000000e+00 : f32
      %div3A_536 = vector.broadcast %div3A_535 : f32 to vector<16xf32>
      %div3A_537 = arith.divf %div3A_536, %add3A_534 : vector<16xf32>
      %mul3A_538 = arith.mulf %add3A_527, %div3A_537 : vector<16xf32>
      %swap3A_539 = arith.index_cast %add3A_452 : i32 to index
      %swap3A_540 = arith.constant 32 : index
      %swap3A_541 = tpu.vector_load %arg9[%swap3A_539, %swap3A_540] {strides = array<i32>} : memref<32x128xf32, #tpu.memory_space<vmem>>, vector<1x16xf32>,
      %swap3A_542 = vector.shape_cast %swap3A_541 : vector<1x16xf32> to vector<16xf32>
      %swap3A_543 = vector.shape_cast %mul3A_538 : vector<16xf32> to vector<1x16xf32>
      tpu.vector_store %arg9[%swap3A_539, %swap3A_540], %swap3A_543 {strides = array<i32>} : memref<32x128xf32, #tpu.memory_space<vmem>>, vector<1x16xf32>,
      %get3A_544 = arith.constant 48 : index
      %get3A_545 = tpu.vector_load %arg8[%get3A_544] {strides = array<i32>} : memref<128xf32, #tpu.memory_space<vmem>>, vector<16xf32>,
      %get3A_546 = vector.shape_cast %get3A_545 : vector<16xf32> to vector<16xf32>
      %add3A_547 = arith.addf %parallel_loop3A_483#3, %get3A_546 : vector<16xf32>
      %neg3A_548 = arith.constant 0.000000e+00 : f32
      %neg3A_549 = vector.broadcast %neg3A_548 : f32 to vector<16xf32>
      %neg3A_550 = arith.subf %neg3A_549, %add3A_547 : vector<16xf32>
      %exp3A_551 = math.exp %neg3A_550 : vector<16xf32>
      %add3A_552 = arith.constant 1.000000e+00 : f32
      %add3A_553 = vector.broadcast %add3A_552 : f32 to vector<16xf32>
      %add3A_554 = arith.addf %add3A_553, %exp3A_551 : vector<16xf32>
      %div3A_555 = arith.constant 1.000000e+00 : f32
      %div3A_556 = vector.broadcast %div3A_555 : f32 to vector<16xf32>
      %div3A_557 = arith.divf %div3A_556, %add3A_554 : vector<16xf32>
      %mul3A_558 = arith.mulf %add3A_547, %div3A_557 : vector<16xf32>
      %swap3A_559 = arith.index_cast %add3A_452 : i32 to index
      %swap3A_560 = arith.constant 48 : index
      %swap3A_561 = tpu.vector_load %arg9[%swap3A_559, %swap3A_560] {strides = array<i32>} : memref<32x128xf32, #tpu.memory_space<vmem>>, vector<1x16xf32>,
      %swap3A_562 = vector.shape_cast %swap3A_561 : vector<1x16xf32> to vector<16xf32>
      %swap3A_563 = vector.shape_cast %mul3A_558 : vector<16xf32> to vector<1x16xf32>
      tpu.vector_store %arg9[%swap3A_559, %swap3A_560], %swap3A_563 {strides = array<i32>} : memref<32x128xf32, #tpu.memory_space<vmem>>, vector<1x16xf32>,
      %get3A_564 = arith.constant 64 : index
      %get3A_565 = tpu.vector_load %arg8[%get3A_564] {strides = array<i32>} : memref<128xf32, #tpu.memory_space<vmem>>, vector<16xf32>,
      %get3A_566 = vector.shape_cast %get3A_565 : vector<16xf32> to vector<16xf32>
      %add3A_567 = arith.addf %parallel_loop3A_483#4, %get3A_566 : vector<16xf32>
      %neg3A_568 = arith.constant 0.000000e+00 : f32
      %neg3A_569 = vector.broadcast %neg3A_568 : f32 to vector<16xf32>
      %neg3A_570 = arith.subf %neg3A_569, %add3A_567 : vector<16xf32>
      %exp3A_571 = math.exp %neg3A_570 : vector<16xf32>
      %add3A_572 = arith.constant 1.000000e+00 : f32
      %add3A_573 = vector.broadcast %add3A_572 : f32 to vector<16xf32>
      %add3A_574 = arith.addf %add3A_573, %exp3A_571 : vector<16xf32>
      %div3A_575 = arith.constant 1.000000e+00 : f32
      %div3A_576 = vector.broadcast %div3A_575 : f32 to vector<16xf32>
      %div3A_577 = arith.divf %div3A_576, %add3A_574 : vector<16xf32>
      %mul3A_578 = arith.mulf %add3A_567, %div3A_577 : vector<16xf32>
      %swap3A_579 = arith.index_cast %add3A_452 : i32 to index
      %swap3A_580 = arith.constant 64 : index
      %swap3A_581 = tpu.vector_load %arg9[%swap3A_579, %swap3A_580] {strides = array<i32>} : memref<32x128xf32, #tpu.memory_space<vmem>>, vector<1x16xf32>,
      %swap3A_582 = vector.shape_cast %swap3A_581 : vector<1x16xf32> to vector<16xf32>
      %swap3A_583 = vector.shape_cast %mul3A_578 : vector<16xf32> to vector<1x16xf32>
      tpu.vector_store %arg9[%swap3A_579, %swap3A_580], %swap3A_583 {strides = array<i32>} : memref<32x128xf32, #tpu.memory_space<vmem>>, vector<1x16xf32>,
      %get3A_584 = arith.constant 80 : index
      %get3A_585 = tpu.vector_load %arg8[%get3A_584] {strides = array<i32>} : memref<128xf32, #tpu.memory_space<vmem>>, vector<16xf32>,
      %get3A_586 = vector.shape_cast %get3A_585 : vector<16xf32> to vector<16xf32>
      %add3A_587 = arith.addf %parallel_loop3A_483#5, %get3A_586 : vector<16xf32>
      %neg3A_588 = arith.constant 0.000000e+00 : f32
      %neg3A_589 = vector.broadcast %neg3A_588 : f32 to vector<16xf32>
      %neg3A_590 = arith.subf %neg3A_589, %add3A_587 : vector<16xf32>
      %exp3A_591 = math.exp %neg3A_590 : vector<16xf32>
      %add3A_592 = arith.constant 1.000000e+00 : f32
      %add3A_593 = vector.broadcast %add3A_592 : f32 to vector<16xf32>
      %add3A_594 = arith.addf %add3A_593, %exp3A_591 : vector<16xf32>
      %div3A_595 = arith.constant 1.000000e+00 : f32
      %div3A_596 = vector.broadcast %div3A_595 : f32 to vector<16xf32>
      %div3A_597 = arith.divf %div3A_596, %add3A_594 : vector<16xf32>
      %mul3A_598 = arith.mulf %add3A_587, %div3A_597 : vector<16xf32>
      %swap3A_599 = arith.index_cast %add3A_452 : i32 to index
      %swap3A_600 = arith.constant 80 : index
      %swap3A_601 = tpu.vector_load %arg9[%swap3A_599, %swap3A_600] {strides = array<i32>} : memref<32x128xf32, #tpu.memory_space<vmem>>, vector<1x16xf32>,
      %swap3A_602 = vector.shape_cast %swap3A_601 : vector<1x16xf32> to vector<16xf32>
      %swap3A_603 = vector.shape_cast %mul3A_598 : vector<16xf32> to vector<1x16xf32>
      tpu.vector_store %arg9[%swap3A_599, %swap3A_600], %swap3A_603 {strides = array<i32>} : memref<32x128xf32, #tpu.memory_space<vmem>>, vector<1x16xf32>,
      %get3A_604 = arith.constant 96 : index
      %get3A_605 = tpu.vector_load %arg8[%get3A_604] {strides = array<i32>} : memref<128xf32, #tpu.memory_space<vmem>>, vector<16xf32>,
      %get3A_606 = vector.shape_cast %get3A_605 : vector<16xf32> to vector<16xf32>
      %add3A_607 = arith.addf %parallel_loop3A_483#6, %get3A_606 : vector<16xf32>
      %neg3A_608 = arith.constant 0.000000e+00 : f32
      %neg3A_609 = vector.broadcast %neg3A_608 : f32 to vector<16xf32>
      %neg3A_610 = arith.subf %neg3A_609, %add3A_607 : vector<16xf32>
      %exp3A_611 = math.exp %neg3A_610 : vector<16xf32>
      %add3A_612 = arith.constant 1.000000e+00 : f32
      %add3A_613 = vector.broadcast %add3A_612 : f32 to vector<16xf32>
      %add3A_614 = arith.addf %add3A_613, %exp3A_611 : vector<16xf32>
      %div3A_615 = arith.constant 1.000000e+00 : f32
      %div3A_616 = vector.broadcast %div3A_615 : f32 to vector<16xf32>
      %div3A_617 = arith.divf %div3A_616, %add3A_614 : vector<16xf32>
      %mul3A_618 = arith.mulf %add3A_607, %div3A_617 : vector<16xf32>
      %swap3A_619 = arith.index_cast %add3A_452 : i32 to index
      %swap3A_620 = arith.constant 96 : index
      %swap3A_621 = tpu.vector_load %arg9[%swap3A_619, %swap3A_620] {strides = array<i32>} : memref<32x128xf32, #tpu.memory_space<vmem>>, vector<1x16xf32>,
      %swap3A_622 = vector.shape_cast %swap3A_621 : vector<1x16xf32> to vector<16xf32>
      %swap3A_623 = vector.shape_cast %mul3A_618 : vector<16xf32> to vector<1x16xf32>
      tpu.vector_store %arg9[%swap3A_619, %swap3A_620], %swap3A_623 {strides = array<i32>} : memref<32x128xf32, #tpu.memory_space<vmem>>, vector<1x16xf32>,
      %get3A_624 = arith.constant 112 : index
      %get3A_625 = tpu.vector_load %arg8[%get3A_624] {strides = array<i32>} : memref<128xf32, #tpu.memory_space<vmem>>, vector<16xf32>,
      %get3A_626 = vector.shape_cast %get3A_625 : vector<16xf32> to vector<16xf32>
      %add3A_627 = arith.addf %parallel_loop3A_483#7, %get3A_626 : vector<16xf32>
      %neg3A_628 = arith.constant 0.000000e+00 : f32
      %neg3A_629 = vector.broadcast %neg3A_628 : f32 to vector<16xf32>
      %neg3A_630 = arith.subf %neg3A_629, %add3A_627 : vector<16xf32>
      %exp3A_631 = math.exp %neg3A_630 : vector<16xf32>
      %add3A_632 = arith.constant 1.000000e+00 : f32
      %add3A_633 = vector.broadcast %add3A_632 : f32 to vector<16xf32>
      %add3A_634 = arith.addf %add3A_633, %exp3A_631 : vector<16xf32>
      %div3A_635 = arith.constant 1.000000e+00 : f32
      %div3A_636 = vector.broadcast %div3A_635 : f32 to vector<16xf32>
      %div3A_637 = arith.divf %div3A_636, %add3A_634 : vector<16xf32>
      %mul3A_638 = arith.mulf %add3A_627, %div3A_637 : vector<16xf32>
      %swap3A_639 = arith.index_cast %add3A_452 : i32 to index
      %swap3A_640 = arith.constant 112 : index
      %swap3A_641 = tpu.vector_load %arg9[%swap3A_639, %swap3A_640] {strides = array<i32>} : memref<32x128xf32, #tpu.memory_space<vmem>>, vector<1x16xf32>,
      %swap3A_642 = vector.shape_cast %swap3A_641 : vector<1x16xf32> to vector<16xf32>
      %swap3A_643 = vector.shape_cast %mul3A_638 : vector<16xf32> to vector<1x16xf32>
      tpu.vector_store %arg9[%swap3A_639, %swap3A_640], %swap3A_643 {strides = array<i32>} : memref<32x128xf32, #tpu.memory_space<vmem>>, vector<1x16xf32>,
      %add3A_644 = arith.constant 4 : i32
      %add3A_645 = arith.addi %add3A_452, %add3A_644 : i32
      %lt3A_646 = arith.constant 32 : i32
      %lt3A_647 = arith.cmpi slt, %add3A_645, %lt3A_646 : i32
      %convert_element_type3A_648 = arith.extui %lt3A_647 : i1 to i32
      %cond3A_649 = arith.constant 0 : i32
      %cond3A_650 = arith.cmpi ne, %convert_element_type3A_648, %cond3A_649 : i32
      scf.if %cond3A_650 {
        %add3A_853 = arith.constant 4 : i32
        %add3A_854 = arith.addi %add3A_452, %add3A_853 : i32
        %dma_start3A_855 = arith.constant 2 : i32
        %dma_start3A_856 = arith.constant 0 : i32
        %dma_start3A_857 = arith.constant 0 : i32
        %dma_start3A_858 = tpu.memref_slice %arg7[%dma_start3A_855, %dma_start3A_856, %dma_start3A_857] : memref<4x96x128xf32, #tpu.memory_space<vmem>> -> memref<1x96x128xf32, #tpu.memory_space<vmem>>
        %dma_start3A_859 = tpu.memref_squeeze %dma_start3A_858 : memref<1x96x128xf32, #tpu.memory_space<vmem>> -> memref<96x128xf32, #tpu.memory_space<vmem>>
        %dma_start3A_860 = arith.constant 0 : i32
        %dma_start3A_861 = tpu.memref_slice %arg6[%add3A_854, %dma_start3A_860] : memref<32x96xi32, #tpu.memory_space<vmem>> -> memref<1x96xi32, #tpu.memory_space<vmem>>
        %dma_start3A_862 = tpu.memref_squeeze %dma_start3A_861 : memref<1x96xi32, #tpu.memory_space<vmem>> -> memref<96xi32, #tpu.memory_space<vmem>>
        %dma_start3A_863 = arith.constant 0 : i32
        %dma_start3A_864 = arith.constant 0 : i32
        %dma_start3A_865 = tpu.memref_slice %arg2[%dma_start3A_863, %dma_start3A_864] : memref<100000x128xf32, #tpu.memory_space<hbm>> -> memref<100000x128xf32, #tpu.memory_space<hbm>>
        tpu.enqueue_indirect_dma source(%dma_start3A_865 : memref<100000x128xf32, #tpu.memory_space<hbm>>) target(%dma_start3A_859 : memref<96x128xf32, #tpu.memory_space<vmem>>) offsets(%dma_start3A_862 : memref<96xi32, #tpu.memory_space<vmem>>) semaphore(%arg12 : memref<!tpu.dma_semaphore, #tpu.memory_space<semaphore_mem>>)
      } else {
      }
      %mul3A_651 = arith.constant 4 : i32
      %mul3A_652 = arith.muli %scan3A_55, %mul3A_651 : i32
      %add3A_653 = arith.constant 3 : i32
      %add3A_654 = arith.addi %mul3A_652, %add3A_653 : i32
      %dma_wait3A_655 = arith.constant 3 : i32
      %dma_wait3A_656 = arith.constant 0 : i32
      %dma_wait3A_657 = arith.constant 0 : i32
      %dma_wait3A_658 = tpu.memref_slice %arg7[%dma_wait3A_655, %dma_wait3A_656, %dma_wait3A_657] : memref<4x96x128xf32, #tpu.memory_space<vmem>> -> memref<1x96x128xf32, #tpu.memory_space<vmem>>
      %dma_wait3A_659 = tpu.memref_squeeze %dma_wait3A_658 : memref<1x96x128xf32, #tpu.memory_space<vmem>> -> memref<96x128xf32, #tpu.memory_space<vmem>>
      %dma_wait3A_660 = arith.constant 0 : i32
      %dma_wait3A_661 = tpu.memref_slice %arg6[%add3A_654, %dma_wait3A_660] : memref<32x96xi32, #tpu.memory_space<vmem>> -> memref<1x96xi32, #tpu.memory_space<vmem>>
      %dma_wait3A_662 = tpu.memref_squeeze %dma_wait3A_661 : memref<1x96xi32, #tpu.memory_space<vmem>> -> memref<96xi32, #tpu.memory_space<vmem>>
      %dma_wait3A_663 = arith.constant 0 : i32
      %dma_wait3A_664 = arith.constant 0 : i32
      %dma_wait3A_665 = tpu.memref_slice %arg2[%dma_wait3A_663, %dma_wait3A_664] : memref<100000x128xf32, #tpu.memory_space<hbm>> -> memref<100000x128xf32, #tpu.memory_space<hbm>>
      tpu.wait_indirect_dma semaphore(%arg13 : memref<!tpu.dma_semaphore, #tpu.memory_space<semaphore_mem>>) src(%dma_wait3A_665 : memref<100000x128xf32, #tpu.memory_space<hbm>>) dst(%dma_wait3A_659 : memref<96x128xf32, #tpu.memory_space<vmem>>)
      %broadcast_in_dim3A_666 = arith.constant 0.000000e+00 : f32
      %broadcast_in_dim3A_667 = vector.broadcast %broadcast_in_dim3A_666 : f32 to vector<16xf32>
      %broadcast_in_dim3A_668 = arith.constant 0.000000e+00 : f32
      %broadcast_in_dim3A_669 = vector.broadcast %broadcast_in_dim3A_668 : f32 to vector<16xf32>
      %broadcast_in_dim3A_670 = arith.constant 0.000000e+00 : f32
      %broadcast_in_dim3A_671 = vector.broadcast %broadcast_in_dim3A_670 : f32 to vector<16xf32>
      %broadcast_in_dim3A_672 = arith.constant 0.000000e+00 : f32
      %broadcast_in_dim3A_673 = vector.broadcast %broadcast_in_dim3A_672 : f32 to vector<16xf32>
      %broadcast_in_dim3A_674 = arith.constant 0.000000e+00 : f32
      %broadcast_in_dim3A_675 = vector.broadcast %broadcast_in_dim3A_674 : f32 to vector<16xf32>
      %broadcast_in_dim3A_676 = arith.constant 0.000000e+00 : f32
      %broadcast_in_dim3A_677 = vector.broadcast %broadcast_in_dim3A_676 : f32 to vector<16xf32>
      %broadcast_in_dim3A_678 = arith.constant 0.000000e+00 : f32
      %broadcast_in_dim3A_679 = vector.broadcast %broadcast_in_dim3A_678 : f32 to vector<16xf32>
      %broadcast_in_dim3A_680 = arith.constant 0.000000e+00 : f32
      %broadcast_in_dim3A_681 = vector.broadcast %broadcast_in_dim3A_680 : f32 to vector<16xf32>
      %parallel_loop3A_682 = arith.constant 0 : i32
      %parallel_loop3A_683 = arith.constant 96 : i32
      %parallel_loop3A_684 = arith.constant 1 : i32
      %parallel_loop3A_685:8 = scf.for %parallel_loop3A_853 = %parallel_loop3A_682 to %parallel_loop3A_683 step %parallel_loop3A_684 iter_args(%parallel_loop3A_854 = %broadcast_in_dim3A_667, %parallel_loop3A_855 = %broadcast_in_dim3A_669, %parallel_loop3A_856 = %broadcast_in_dim3A_671, %parallel_loop3A_857 = %broadcast_in_dim3A_673, %parallel_loop3A_858 = %broadcast_in_dim3A_675, %parallel_loop3A_859 = %broadcast_in_dim3A_677, %parallel_loop3A_860 = %broadcast_in_dim3A_679, %parallel_loop3A_861 = %broadcast_in_dim3A_681) -> (vector<16xf32>, vector<16xf32>, vector<16xf32>, vector<16xf32>, vector<16xf32>, vector<16xf32>, vector<16xf32>, vector<16xf32>)  : i32 {
        %parallel_loop3A_862 = arith.constant 3 : i32
        %parallel_loop3A_863 = arith.index_cast %parallel_loop3A_862 : i32 to index
        %parallel_loop3A_864 = arith.index_cast %parallel_loop3A_853 : i32 to index
        %parallel_loop3A_865 = arith.constant 0 : index
        %parallel_loop3A_866 = tpu.vector_load %arg7[%parallel_loop3A_863, %parallel_loop3A_864, %parallel_loop3A_865] {strides = array<i32>} : memref<4x96x128xf32, #tpu.memory_space<vmem>>, vector<1x1x16xf32>,
        %parallel_loop3A_867 = vector.shape_cast %parallel_loop3A_866 : vector<1x1x16xf32> to vector<16xf32>
        %parallel_loop3A_868 = arith.addf %parallel_loop3A_854, %parallel_loop3A_867 : vector<16xf32>
        %parallel_loop3A_869 = arith.constant 3 : i32
        %parallel_loop3A_870 = arith.index_cast %parallel_loop3A_869 : i32 to index
        %parallel_loop3A_871 = arith.index_cast %parallel_loop3A_853 : i32 to index
        %parallel_loop3A_872 = arith.constant 16 : index
        %parallel_loop3A_873 = tpu.vector_load %arg7[%parallel_loop3A_870, %parallel_loop3A_871, %parallel_loop3A_872] {strides = array<i32>} : memref<4x96x128xf32, #tpu.memory_space<vmem>>, vector<1x1x16xf32>,
        %parallel_loop3A_874 = vector.shape_cast %parallel_loop3A_873 : vector<1x1x16xf32> to vector<16xf32>
        %parallel_loop3A_875 = arith.addf %parallel_loop3A_855, %parallel_loop3A_874 : vector<16xf32>
        %parallel_loop3A_876 = arith.constant 3 : i32
        %parallel_loop3A_877 = arith.index_cast %parallel_loop3A_876 : i32 to index
        %parallel_loop3A_878 = arith.index_cast %parallel_loop3A_853 : i32 to index
        %parallel_loop3A_879 = arith.constant 32 : index
        %parallel_loop3A_880 = tpu.vector_load %arg7[%parallel_loop3A_877, %parallel_loop3A_878, %parallel_loop3A_879] {strides = array<i32>} : memref<4x96x128xf32, #tpu.memory_space<vmem>>, vector<1x1x16xf32>,
        %parallel_loop3A_881 = vector.shape_cast %parallel_loop3A_880 : vector<1x1x16xf32> to vector<16xf32>
        %parallel_loop3A_882 = arith.addf %parallel_loop3A_856, %parallel_loop3A_881 : vector<16xf32>
        %parallel_loop3A_883 = arith.constant 3 : i32
        %parallel_loop3A_884 = arith.index_cast %parallel_loop3A_883 : i32 to index
        %parallel_loop3A_885 = arith.index_cast %parallel_loop3A_853 : i32 to index
        %parallel_loop3A_886 = arith.constant 48 : index
        %parallel_loop3A_887 = tpu.vector_load %arg7[%parallel_loop3A_884, %parallel_loop3A_885, %parallel_loop3A_886] {strides = array<i32>} : memref<4x96x128xf32, #tpu.memory_space<vmem>>, vector<1x1x16xf32>,
        %parallel_loop3A_888 = vector.shape_cast %parallel_loop3A_887 : vector<1x1x16xf32> to vector<16xf32>
        %parallel_loop3A_889 = arith.addf %parallel_loop3A_857, %parallel_loop3A_888 : vector<16xf32>
        %parallel_loop3A_890 = arith.constant 3 : i32
        %parallel_loop3A_891 = arith.index_cast %parallel_loop3A_890 : i32 to index
        %parallel_loop3A_892 = arith.index_cast %parallel_loop3A_853 : i32 to index
        %parallel_loop3A_893 = arith.constant 64 : index
        %parallel_loop3A_894 = tpu.vector_load %arg7[%parallel_loop3A_891, %parallel_loop3A_892, %parallel_loop3A_893] {strides = array<i32>} : memref<4x96x128xf32, #tpu.memory_space<vmem>>, vector<1x1x16xf32>,
        %parallel_loop3A_895 = vector.shape_cast %parallel_loop3A_894 : vector<1x1x16xf32> to vector<16xf32>
        %parallel_loop3A_896 = arith.addf %parallel_loop3A_858, %parallel_loop3A_895 : vector<16xf32>
        %parallel_loop3A_897 = arith.constant 3 : i32
        %parallel_loop3A_898 = arith.index_cast %parallel_loop3A_897 : i32 to index
        %parallel_loop3A_899 = arith.index_cast %parallel_loop3A_853 : i32 to index
        %parallel_loop3A_900 = arith.constant 80 : index
        %parallel_loop3A_901 = tpu.vector_load %arg7[%parallel_loop3A_898, %parallel_loop3A_899, %parallel_loop3A_900] {strides = array<i32>} : memref<4x96x128xf32, #tpu.memory_space<vmem>>, vector<1x1x16xf32>,
        %parallel_loop3A_902 = vector.shape_cast %parallel_loop3A_901 : vector<1x1x16xf32> to vector<16xf32>
        %parallel_loop3A_903 = arith.addf %parallel_loop3A_859, %parallel_loop3A_902 : vector<16xf32>
        %parallel_loop3A_904 = arith.constant 3 : i32
        %parallel_loop3A_905 = arith.index_cast %parallel_loop3A_904 : i32 to index
        %parallel_loop3A_906 = arith.index_cast %parallel_loop3A_853 : i32 to index
        %parallel_loop3A_907 = arith.constant 96 : index
        %parallel_loop3A_908 = tpu.vector_load %arg7[%parallel_loop3A_905, %parallel_loop3A_906, %parallel_loop3A_907] {strides = array<i32>} : memref<4x96x128xf32, #tpu.memory_space<vmem>>, vector<1x1x16xf32>,
        %parallel_loop3A_909 = vector.shape_cast %parallel_loop3A_908 : vector<1x1x16xf32> to vector<16xf32>
        %parallel_loop3A_910 = arith.addf %parallel_loop3A_860, %parallel_loop3A_909 : vector<16xf32>
        %parallel_loop3A_911 = arith.constant 3 : i32
        %parallel_loop3A_912 = arith.index_cast %parallel_loop3A_911 : i32 to index
        %parallel_loop3A_913 = arith.index_cast %parallel_loop3A_853 : i32 to index
        %parallel_loop3A_914 = arith.constant 112 : index
        %parallel_loop3A_915 = tpu.vector_load %arg7[%parallel_loop3A_912, %parallel_loop3A_913, %parallel_loop3A_914] {strides = array<i32>} : memref<4x96x128xf32, #tpu.memory_space<vmem>>, vector<1x1x16xf32>,
        %parallel_loop3A_916 = vector.shape_cast %parallel_loop3A_915 : vector<1x1x16xf32> to vector<16xf32>
        %parallel_loop3A_917 = arith.addf %parallel_loop3A_861, %parallel_loop3A_916 : vector<16xf32>
        scf.yield %parallel_loop3A_868, %parallel_loop3A_875, %parallel_loop3A_882, %parallel_loop3A_889, %parallel_loop3A_896, %parallel_loop3A_903, %parallel_loop3A_910, %parallel_loop3A_917 : vector<16xf32>, vector<16xf32>, vector<16xf32>, vector<16xf32>, vector<16xf32>, vector<16xf32>, vector<16xf32>, vector<16xf32>
      } {sc.loop_unroll_factor = 16 : i64, sc.parallel_access}
      %get3A_686 = arith.constant 0 : index
      %get3A_687 = tpu.vector_load %arg8[%get3A_686] {strides = array<i32>} : memref<128xf32, #tpu.memory_space<vmem>>, vector<16xf32>,
      %get3A_688 = vector.shape_cast %get3A_687 : vector<16xf32> to vector<16xf32>
      %add3A_689 = arith.addf %parallel_loop3A_685#0, %get3A_688 : vector<16xf32>
      %neg3A_690 = arith.constant 0.000000e+00 : f32
      %neg3A_691 = vector.broadcast %neg3A_690 : f32 to vector<16xf32>
      %neg3A_692 = arith.subf %neg3A_691, %add3A_689 : vector<16xf32>
      %exp3A_693 = math.exp %neg3A_692 : vector<16xf32>
      %add3A_694 = arith.constant 1.000000e+00 : f32
      %add3A_695 = vector.broadcast %add3A_694 : f32 to vector<16xf32>
      %add3A_696 = arith.addf %add3A_695, %exp3A_693 : vector<16xf32>
      %div3A_697 = arith.constant 1.000000e+00 : f32
      %div3A_698 = vector.broadcast %div3A_697 : f32 to vector<16xf32>
      %div3A_699 = arith.divf %div3A_698, %add3A_696 : vector<16xf32>
      %mul3A_700 = arith.mulf %add3A_689, %div3A_699 : vector<16xf32>
      %swap3A_701 = arith.index_cast %add3A_654 : i32 to index
      %swap3A_702 = arith.constant 0 : index
      %swap3A_703 = tpu.vector_load %arg9[%swap3A_701, %swap3A_702] {strides = array<i32>} : memref<32x128xf32, #tpu.memory_space<vmem>>, vector<1x16xf32>,
      %swap3A_704 = vector.shape_cast %swap3A_703 : vector<1x16xf32> to vector<16xf32>
      %swap3A_705 = vector.shape_cast %mul3A_700 : vector<16xf32> to vector<1x16xf32>
      tpu.vector_store %arg9[%swap3A_701, %swap3A_702], %swap3A_705 {strides = array<i32>} : memref<32x128xf32, #tpu.memory_space<vmem>>, vector<1x16xf32>,
      %get3A_706 = arith.constant 16 : index
      %get3A_707 = tpu.vector_load %arg8[%get3A_706] {strides = array<i32>} : memref<128xf32, #tpu.memory_space<vmem>>, vector<16xf32>,
      %get3A_708 = vector.shape_cast %get3A_707 : vector<16xf32> to vector<16xf32>
      %add3A_709 = arith.addf %parallel_loop3A_685#1, %get3A_708 : vector<16xf32>
      %neg3A_710 = arith.constant 0.000000e+00 : f32
      %neg3A_711 = vector.broadcast %neg3A_710 : f32 to vector<16xf32>
      %neg3A_712 = arith.subf %neg3A_711, %add3A_709 : vector<16xf32>
      %exp3A_713 = math.exp %neg3A_712 : vector<16xf32>
      %add3A_714 = arith.constant 1.000000e+00 : f32
      %add3A_715 = vector.broadcast %add3A_714 : f32 to vector<16xf32>
      %add3A_716 = arith.addf %add3A_715, %exp3A_713 : vector<16xf32>
      %div3A_717 = arith.constant 1.000000e+00 : f32
      %div3A_718 = vector.broadcast %div3A_717 : f32 to vector<16xf32>
      %div3A_719 = arith.divf %div3A_718, %add3A_716 : vector<16xf32>
      %mul3A_720 = arith.mulf %add3A_709, %div3A_719 : vector<16xf32>
      %swap3A_721 = arith.index_cast %add3A_654 : i32 to index
      %swap3A_722 = arith.constant 16 : index
      %swap3A_723 = tpu.vector_load %arg9[%swap3A_721, %swap3A_722] {strides = array<i32>} : memref<32x128xf32, #tpu.memory_space<vmem>>, vector<1x16xf32>,
      %swap3A_724 = vector.shape_cast %swap3A_723 : vector<1x16xf32> to vector<16xf32>
      %swap3A_725 = vector.shape_cast %mul3A_720 : vector<16xf32> to vector<1x16xf32>
      tpu.vector_store %arg9[%swap3A_721, %swap3A_722], %swap3A_725 {strides = array<i32>} : memref<32x128xf32, #tpu.memory_space<vmem>>, vector<1x16xf32>,
      %get3A_726 = arith.constant 32 : index
      %get3A_727 = tpu.vector_load %arg8[%get3A_726] {strides = array<i32>} : memref<128xf32, #tpu.memory_space<vmem>>, vector<16xf32>,
      %get3A_728 = vector.shape_cast %get3A_727 : vector<16xf32> to vector<16xf32>
      %add3A_729 = arith.addf %parallel_loop3A_685#2, %get3A_728 : vector<16xf32>
      %neg3A_730 = arith.constant 0.000000e+00 : f32
      %neg3A_731 = vector.broadcast %neg3A_730 : f32 to vector<16xf32>
      %neg3A_732 = arith.subf %neg3A_731, %add3A_729 : vector<16xf32>
      %exp3A_733 = math.exp %neg3A_732 : vector<16xf32>
      %add3A_734 = arith.constant 1.000000e+00 : f32
      %add3A_735 = vector.broadcast %add3A_734 : f32 to vector<16xf32>
      %add3A_736 = arith.addf %add3A_735, %exp3A_733 : vector<16xf32>
      %div3A_737 = arith.constant 1.000000e+00 : f32
      %div3A_738 = vector.broadcast %div3A_737 : f32 to vector<16xf32>
      %div3A_739 = arith.divf %div3A_738, %add3A_736 : vector<16xf32>
      %mul3A_740 = arith.mulf %add3A_729, %div3A_739 : vector<16xf32>
      %swap3A_741 = arith.index_cast %add3A_654 : i32 to index
      %swap3A_742 = arith.constant 32 : index
      %swap3A_743 = tpu.vector_load %arg9[%swap3A_741, %swap3A_742] {strides = array<i32>} : memref<32x128xf32, #tpu.memory_space<vmem>>, vector<1x16xf32>,
      %swap3A_744 = vector.shape_cast %swap3A_743 : vector<1x16xf32> to vector<16xf32>
      %swap3A_745 = vector.shape_cast %mul3A_740 : vector<16xf32> to vector<1x16xf32>
      tpu.vector_store %arg9[%swap3A_741, %swap3A_742], %swap3A_745 {strides = array<i32>} : memref<32x128xf32, #tpu.memory_space<vmem>>, vector<1x16xf32>,
      %get3A_746 = arith.constant 48 : index
      %get3A_747 = tpu.vector_load %arg8[%get3A_746] {strides = array<i32>} : memref<128xf32, #tpu.memory_space<vmem>>, vector<16xf32>,
      %get3A_748 = vector.shape_cast %get3A_747 : vector<16xf32> to vector<16xf32>
      %add3A_749 = arith.addf %parallel_loop3A_685#3, %get3A_748 : vector<16xf32>
      %neg3A_750 = arith.constant 0.000000e+00 : f32
      %neg3A_751 = vector.broadcast %neg3A_750 : f32 to vector<16xf32>
      %neg3A_752 = arith.subf %neg3A_751, %add3A_749 : vector<16xf32>
      %exp3A_753 = math.exp %neg3A_752 : vector<16xf32>
      %add3A_754 = arith.constant 1.000000e+00 : f32
      %add3A_755 = vector.broadcast %add3A_754 : f32 to vector<16xf32>
      %add3A_756 = arith.addf %add3A_755, %exp3A_753 : vector<16xf32>
      %div3A_757 = arith.constant 1.000000e+00 : f32
      %div3A_758 = vector.broadcast %div3A_757 : f32 to vector<16xf32>
      %div3A_759 = arith.divf %div3A_758, %add3A_756 : vector<16xf32>
      %mul3A_760 = arith.mulf %add3A_749, %div3A_759 : vector<16xf32>
      %swap3A_761 = arith.index_cast %add3A_654 : i32 to index
      %swap3A_762 = arith.constant 48 : index
      %swap3A_763 = tpu.vector_load %arg9[%swap3A_761, %swap3A_762] {strides = array<i32>} : memref<32x128xf32, #tpu.memory_space<vmem>>, vector<1x16xf32>,
      %swap3A_764 = vector.shape_cast %swap3A_763 : vector<1x16xf32> to vector<16xf32>
      %swap3A_765 = vector.shape_cast %mul3A_760 : vector<16xf32> to vector<1x16xf32>
      tpu.vector_store %arg9[%swap3A_761, %swap3A_762], %swap3A_765 {strides = array<i32>} : memref<32x128xf32, #tpu.memory_space<vmem>>, vector<1x16xf32>,
      %get3A_766 = arith.constant 64 : index
      %get3A_767 = tpu.vector_load %arg8[%get3A_766] {strides = array<i32>} : memref<128xf32, #tpu.memory_space<vmem>>, vector<16xf32>,
      %get3A_768 = vector.shape_cast %get3A_767 : vector<16xf32> to vector<16xf32>
      %add3A_769 = arith.addf %parallel_loop3A_685#4, %get3A_768 : vector<16xf32>
      %neg3A_770 = arith.constant 0.000000e+00 : f32
      %neg3A_771 = vector.broadcast %neg3A_770 : f32 to vector<16xf32>
      %neg3A_772 = arith.subf %neg3A_771, %add3A_769 : vector<16xf32>
      %exp3A_773 = math.exp %neg3A_772 : vector<16xf32>
      %add3A_774 = arith.constant 1.000000e+00 : f32
      %add3A_775 = vector.broadcast %add3A_774 : f32 to vector<16xf32>
      %add3A_776 = arith.addf %add3A_775, %exp3A_773 : vector<16xf32>
      %div3A_777 = arith.constant 1.000000e+00 : f32
      %div3A_778 = vector.broadcast %div3A_777 : f32 to vector<16xf32>
      %div3A_779 = arith.divf %div3A_778, %add3A_776 : vector<16xf32>
      %mul3A_780 = arith.mulf %add3A_769, %div3A_779 : vector<16xf32>
      %swap3A_781 = arith.index_cast %add3A_654 : i32 to index
      %swap3A_782 = arith.constant 64 : index
      %swap3A_783 = tpu.vector_load %arg9[%swap3A_781, %swap3A_782] {strides = array<i32>} : memref<32x128xf32, #tpu.memory_space<vmem>>, vector<1x16xf32>,
      %swap3A_784 = vector.shape_cast %swap3A_783 : vector<1x16xf32> to vector<16xf32>
      %swap3A_785 = vector.shape_cast %mul3A_780 : vector<16xf32> to vector<1x16xf32>
      tpu.vector_store %arg9[%swap3A_781, %swap3A_782], %swap3A_785 {strides = array<i32>} : memref<32x128xf32, #tpu.memory_space<vmem>>, vector<1x16xf32>,
      %get3A_786 = arith.constant 80 : index
      %get3A_787 = tpu.vector_load %arg8[%get3A_786] {strides = array<i32>} : memref<128xf32, #tpu.memory_space<vmem>>, vector<16xf32>,
      %get3A_788 = vector.shape_cast %get3A_787 : vector<16xf32> to vector<16xf32>
      %add3A_789 = arith.addf %parallel_loop3A_685#5, %get3A_788 : vector<16xf32>
      %neg3A_790 = arith.constant 0.000000e+00 : f32
      %neg3A_791 = vector.broadcast %neg3A_790 : f32 to vector<16xf32>
      %neg3A_792 = arith.subf %neg3A_791, %add3A_789 : vector<16xf32>
      %exp3A_793 = math.exp %neg3A_792 : vector<16xf32>
      %add3A_794 = arith.constant 1.000000e+00 : f32
      %add3A_795 = vector.broadcast %add3A_794 : f32 to vector<16xf32>
      %add3A_796 = arith.addf %add3A_795, %exp3A_793 : vector<16xf32>
      %div3A_797 = arith.constant 1.000000e+00 : f32
      %div3A_798 = vector.broadcast %div3A_797 : f32 to vector<16xf32>
      %div3A_799 = arith.divf %div3A_798, %add3A_796 : vector<16xf32>
      %mul3A_800 = arith.mulf %add3A_789, %div3A_799 : vector<16xf32>
      %swap3A_801 = arith.index_cast %add3A_654 : i32 to index
      %swap3A_802 = arith.constant 80 : index
      %swap3A_803 = tpu.vector_load %arg9[%swap3A_801, %swap3A_802] {strides = array<i32>} : memref<32x128xf32, #tpu.memory_space<vmem>>, vector<1x16xf32>,
      %swap3A_804 = vector.shape_cast %swap3A_803 : vector<1x16xf32> to vector<16xf32>
      %swap3A_805 = vector.shape_cast %mul3A_800 : vector<16xf32> to vector<1x16xf32>
      tpu.vector_store %arg9[%swap3A_801, %swap3A_802], %swap3A_805 {strides = array<i32>} : memref<32x128xf32, #tpu.memory_space<vmem>>, vector<1x16xf32>,
      %get3A_806 = arith.constant 96 : index
      %get3A_807 = tpu.vector_load %arg8[%get3A_806] {strides = array<i32>} : memref<128xf32, #tpu.memory_space<vmem>>, vector<16xf32>,
      %get3A_808 = vector.shape_cast %get3A_807 : vector<16xf32> to vector<16xf32>
      %add3A_809 = arith.addf %parallel_loop3A_685#6, %get3A_808 : vector<16xf32>
      %neg3A_810 = arith.constant 0.000000e+00 : f32
      %neg3A_811 = vector.broadcast %neg3A_810 : f32 to vector<16xf32>
      %neg3A_812 = arith.subf %neg3A_811, %add3A_809 : vector<16xf32>
      %exp3A_813 = math.exp %neg3A_812 : vector<16xf32>
      %add3A_814 = arith.constant 1.000000e+00 : f32
      %add3A_815 = vector.broadcast %add3A_814 : f32 to vector<16xf32>
      %add3A_816 = arith.addf %add3A_815, %exp3A_813 : vector<16xf32>
      %div3A_817 = arith.constant 1.000000e+00 : f32
      %div3A_818 = vector.broadcast %div3A_817 : f32 to vector<16xf32>
      %div3A_819 = arith.divf %div3A_818, %add3A_816 : vector<16xf32>
      %mul3A_820 = arith.mulf %add3A_809, %div3A_819 : vector<16xf32>
      %swap3A_821 = arith.index_cast %add3A_654 : i32 to index
      %swap3A_822 = arith.constant 96 : index
      %swap3A_823 = tpu.vector_load %arg9[%swap3A_821, %swap3A_822] {strides = array<i32>} : memref<32x128xf32, #tpu.memory_space<vmem>>, vector<1x16xf32>,
      %swap3A_824 = vector.shape_cast %swap3A_823 : vector<1x16xf32> to vector<16xf32>
      %swap3A_825 = vector.shape_cast %mul3A_820 : vector<16xf32> to vector<1x16xf32>
      tpu.vector_store %arg9[%swap3A_821, %swap3A_822], %swap3A_825 {strides = array<i32>} : memref<32x128xf32, #tpu.memory_space<vmem>>, vector<1x16xf32>,
      %get3A_826 = arith.constant 112 : index
      %get3A_827 = tpu.vector_load %arg8[%get3A_826] {strides = array<i32>} : memref<128xf32, #tpu.memory_space<vmem>>, vector<16xf32>,
      %get3A_828 = vector.shape_cast %get3A_827 : vector<16xf32> to vector<16xf32>
      %add3A_829 = arith.addf %parallel_loop3A_685#7, %get3A_828 : vector<16xf32>
      %neg3A_830 = arith.constant 0.000000e+00 : f32
      %neg3A_831 = vector.broadcast %neg3A_830 : f32 to vector<16xf32>
      %neg3A_832 = arith.subf %neg3A_831, %add3A_829 : vector<16xf32>
      %exp3A_833 = math.exp %neg3A_832 : vector<16xf32>
      %add3A_834 = arith.constant 1.000000e+00 : f32
      %add3A_835 = vector.broadcast %add3A_834 : f32 to vector<16xf32>
      %add3A_836 = arith.addf %add3A_835, %exp3A_833 : vector<16xf32>
      %div3A_837 = arith.constant 1.000000e+00 : f32
      %div3A_838 = vector.broadcast %div3A_837 : f32 to vector<16xf32>
      %div3A_839 = arith.divf %div3A_838, %add3A_836 : vector<16xf32>
      %mul3A_840 = arith.mulf %add3A_829, %div3A_839 : vector<16xf32>
      %swap3A_841 = arith.index_cast %add3A_654 : i32 to index
      %swap3A_842 = arith.constant 112 : index
      %swap3A_843 = tpu.vector_load %arg9[%swap3A_841, %swap3A_842] {strides = array<i32>} : memref<32x128xf32, #tpu.memory_space<vmem>>, vector<1x16xf32>,
      %swap3A_844 = vector.shape_cast %swap3A_843 : vector<1x16xf32> to vector<16xf32>
      %swap3A_845 = vector.shape_cast %mul3A_840 : vector<16xf32> to vector<1x16xf32>
      tpu.vector_store %arg9[%swap3A_841, %swap3A_842], %swap3A_845 {strides = array<i32>} : memref<32x128xf32, #tpu.memory_space<vmem>>, vector<1x16xf32>,
      %add3A_846 = arith.constant 4 : i32
      %add3A_847 = arith.addi %add3A_654, %add3A_846 : i32
      %lt3A_848 = arith.constant 32 : i32
      %lt3A_849 = arith.cmpi slt, %add3A_847, %lt3A_848 : i32
      %convert_element_type3A_850 = arith.extui %lt3A_849 : i1 to i32
      %cond3A_851 = arith.constant 0 : i32
      %cond3A_852 = arith.cmpi ne, %convert_element_type3A_850, %cond3A_851 : i32
      scf.if %cond3A_852 {
        %add3A_853 = arith.constant 4 : i32
        %add3A_854 = arith.addi %add3A_654, %add3A_853 : i32
        %dma_start3A_855 = arith.constant 3 : i32
        %dma_start3A_856 = arith.constant 0 : i32
        %dma_start3A_857 = arith.constant 0 : i32
        %dma_start3A_858 = tpu.memref_slice %arg7[%dma_start3A_855, %dma_start3A_856, %dma_start3A_857] : memref<4x96x128xf32, #tpu.memory_space<vmem>> -> memref<1x96x128xf32, #tpu.memory_space<vmem>>
        %dma_start3A_859 = tpu.memref_squeeze %dma_start3A_858 : memref<1x96x128xf32, #tpu.memory_space<vmem>> -> memref<96x128xf32, #tpu.memory_space<vmem>>
        %dma_start3A_860 = arith.constant 0 : i32
        %dma_start3A_861 = tpu.memref_slice %arg6[%add3A_854, %dma_start3A_860] : memref<32x96xi32, #tpu.memory_space<vmem>> -> memref<1x96xi32, #tpu.memory_space<vmem>>
        %dma_start3A_862 = tpu.memref_squeeze %dma_start3A_861 : memref<1x96xi32, #tpu.memory_space<vmem>> -> memref<96xi32, #tpu.memory_space<vmem>>
        %dma_start3A_863 = arith.constant 0 : i32
        %dma_start3A_864 = arith.constant 0 : i32
        %dma_start3A_865 = tpu.memref_slice %arg2[%dma_start3A_863, %dma_start3A_864] : memref<100000x128xf32, #tpu.memory_space<hbm>> -> memref<100000x128xf32, #tpu.memory_space<hbm>>
        tpu.enqueue_indirect_dma source(%dma_start3A_865 : memref<100000x128xf32, #tpu.memory_space<hbm>>) target(%dma_start3A_859 : memref<96x128xf32, #tpu.memory_space<vmem>>) offsets(%dma_start3A_862 : memref<96xi32, #tpu.memory_space<vmem>>) semaphore(%arg13 : memref<!tpu.dma_semaphore, #tpu.memory_space<semaphore_mem>>)
      } else {
      }
    }
    %scan3A_54 = arith.constant 8 : i32
    "tpu.region"() ({
      %run_scoped3A = tpu.sem_alloc : memref<!tpu.dma_semaphore, #tpu.memory_space<semaphore_mem>>
      %dma_start3A_55 = arith.constant 0 : i32
      %dma_start3A_56 = tpu.memref_slice %arg5[%mul3A_2, %dma_start3A_55] : memref<1024x128xf32, #tpu.memory_space<hbm>> -> memref<32x128xf32, #tpu.memory_space<hbm>>
      %dma_start3A_57 = arith.constant 0 : i32
      %dma_start3A_58 = tpu.memref_slice %arg5[%mul3A_2, %dma_start3A_57] : memref<1024x128xf32, #tpu.memory_space<hbm>> -> memref<32x128xf32, #tpu.memory_space<hbm>>
      tpu.enqueue_dma source(%arg9 : memref<32x128xf32, #tpu.memory_space<vmem>>) target(%dma_start3A_58 : memref<32x128xf32, #tpu.memory_space<hbm>>) target_semaphore(%run_scoped3A : memref<!tpu.dma_semaphore, #tpu.memory_space<semaphore_mem>>)
      %dma_wait3A = arith.constant 0 : i32
      %dma_wait3A_59 = tpu.memref_slice %arg5[%mul3A_2, %dma_wait3A] : memref<1024x128xf32, #tpu.memory_space<hbm>> -> memref<32x128xf32, #tpu.memory_space<hbm>>
      %dma_wait3A_60 = arith.constant 0 : i32
      %dma_wait3A_61 = tpu.memref_slice %arg5[%mul3A_2, %dma_wait3A_60] : memref<1024x128xf32, #tpu.memory_space<hbm>> -> memref<32x128xf32, #tpu.memory_space<hbm>>
      tpu.wait_dma2 semaphore(%run_scoped3A : memref<!tpu.dma_semaphore, #tpu.memory_space<semaphore_mem>>) src(%arg9 : memref<32x128xf32, #tpu.memory_space<vmem>>) dst(%dma_wait3A_61 : memref<32x128xf32, #tpu.memory_space<hbm>>)
      tpu.yield
    }) : () -> ()
    return
  }
}

module attributes {stable_mosaic.version = 14 : i64} {
  func.func @_tc_precompute_body(%arg0: i32, %arg1: memref<4000x128xf32, #tpu.memory_space<vmem>>, %arg2: memref<128x32xbf16, #tpu.memory_space<vmem>>, %arg3: memref<1x32xf32, #tpu.memory_space<vmem>>, %arg4: memref<32x4xbf16, #tpu.memory_space<vmem>>, %arg5: memref<1x4xf32, #tpu.memory_space<vmem>>, %arg6: memref<128x512xbf16, #tpu.memory_space<vmem>>, %arg7: memref<4000x128xf32, #tpu.memory_space<vmem>>) attributes {dimension_semantics = [#tpu.dimension_semantics<arbitrary>], iteration_bounds = array<i64: 25>, scalar_prefetch = 0 : i64, scratch_operands = 0 : i64, tpu.core_type = #tpu.core_type<tc>, window_params = [{transform_indices = @transform_0, window_bounds = array<i64: 4000, 128>}, {pipeline_mode = #tpu.pipeline_mode<synchronous>, transform_indices = @transform_1, window_bounds = array<i64: 128, 32>}, {pipeline_mode = #tpu.pipeline_mode<synchronous>, transform_indices = @transform_2, window_bounds = array<i64: 1, 32>}, {pipeline_mode = #tpu.pipeline_mode<synchronous>, transform_indices = @transform_3, window_bounds = array<i64: 32, 4>}, {pipeline_mode = #tpu.pipeline_mode<synchronous>, transform_indices = @transform_4, window_bounds = array<i64: 1, 4>}, {pipeline_mode = #tpu.pipeline_mode<synchronous>, transform_indices = @transform_5, window_bounds = array<i64: 128, 512>}, {transform_indices = @transform_6, window_bounds = array<i64: 4000, 128>}]} {
    %get3A = arith.constant 0 : index
    %get3A_0 = arith.constant 0 : index
    %get3A_1 = vector.load %arg1[%get3A, %get3A_0] : memref<4000x128xf32, #tpu.memory_space<vmem>>, vector<4000x128xf32>
    %convert_element_type3A = arith.truncf %get3A_1 : vector<4000x128xf32> to vector<4000x128xbf16>
    %get3A_2 = arith.constant 0 : index
    %get3A_3 = arith.constant 0 : index
    %get3A_4 = vector.load %arg2[%get3A_2, %get3A_3] : memref<128x32xbf16, #tpu.memory_space<vmem>>, vector<128x32xbf16>
    %dot_general3A = arith.constant dense<0.000000e+00> : vector<4000x32xf32>
    %dot_general3A_5 = tpu.matmul %convert_element_type3A, %get3A_4, %dot_general3A {dimension_numbers = #tpu.dot_dimension_numbers<[1], [0], [0], [1], [0, 0, 1, 1], [], []>, transpose_lhs_hint = false} : vector<4000x128xbf16>, vector<128x32xbf16>, vector<4000x32xf32> -> vector<4000x32xf32>
    %get3A_6 = arith.constant 0 : index
    %get3A_7 = arith.constant 0 : index
    %get3A_8 = vector.load %arg3[%get3A_6, %get3A_7] : memref<1x32xf32, #tpu.memory_space<vmem>>, vector<1x32xf32>
    %add3A = vector.broadcast %get3A_8 : vector<1x32xf32> to vector<4000x32xf32>
    %add3A_9 = arith.addf %dot_general3A_5, %add3A : vector<4000x32xf32>
    %neg3A = arith.constant 0.000000e+00 : f32
    %neg3A_10 = vector.broadcast %neg3A : f32 to vector<4000x32xf32>
    %neg3A_11 = arith.subf %neg3A_10, %add3A_9 : vector<4000x32xf32>
    %exp3A = math.exp %neg3A_11 : vector<4000x32xf32>
    %add3A_12 = arith.constant 1.000000e+00 : f32
    %add3A_13 = vector.broadcast %add3A_12 : f32 to vector<4000x32xf32>
    %add3A_14 = arith.addf %add3A_13, %exp3A : vector<4000x32xf32>
    %div3A = arith.constant 1.000000e+00 : f32
    %div3A_15 = vector.broadcast %div3A : f32 to vector<4000x32xf32>
    %div3A_16 = arith.divf %div3A_15, %add3A_14 : vector<4000x32xf32>
    %mul3A = arith.mulf %add3A_9, %div3A_16 : vector<4000x32xf32>
    %convert_element_type3A_17 = arith.truncf %mul3A : vector<4000x32xf32> to vector<4000x32xbf16>
    %get3A_18 = arith.constant 0 : index
    %get3A_19 = arith.constant 0 : index
    %get3A_20 = vector.load %arg4[%get3A_18, %get3A_19] : memref<32x4xbf16, #tpu.memory_space<vmem>>, vector<32x4xbf16>
    %dot_general3A_21 = arith.constant dense<0.000000e+00> : vector<4000x4xf32>
    %dot_general3A_22 = tpu.matmul %convert_element_type3A_17, %get3A_20, %dot_general3A_21 {dimension_numbers = #tpu.dot_dimension_numbers<[1], [0], [0], [1], [0, 0, 1, 1], [], []>, transpose_lhs_hint = false} : vector<4000x32xbf16>, vector<32x4xbf16>, vector<4000x4xf32> -> vector<4000x4xf32>
    %get3A_23 = arith.constant 0 : index
    %get3A_24 = arith.constant 0 : index
    %get3A_25 = vector.load %arg5[%get3A_23, %get3A_24] : memref<1x4xf32, #tpu.memory_space<vmem>>, vector<1x4xf32>
    %add3A_26 = vector.broadcast %get3A_25 : vector<1x4xf32> to vector<4000x4xf32>
    %add3A_27 = arith.addf %dot_general3A_22, %add3A_26 : vector<4000x4xf32>
    %reduce_max3A = arith.constant dense<0xFF800000> : vector<4000xf32>
    %reduce_max3A_28 = vector.multi_reduction <maximumf>, %add3A_27, %reduce_max3A [1] : vector<4000x4xf32> to vector<4000xf32>
    %max3A = arith.constant 0xFF800000 : f32
    %max3A_29 = vector.broadcast %max3A : f32 to vector<4000xf32>
    %max3A_30 = arith.maximumf %max3A_29, %reduce_max3A_28 : vector<4000xf32>
    %broadcast_in_dim3A = vector.shape_cast %max3A_30 : vector<4000xf32> to vector<4000x1xf32>
    %sub3A = vector.broadcast %broadcast_in_dim3A : vector<4000x1xf32> to vector<4000x4xf32>
    %sub3A_31 = arith.subf %add3A_27, %sub3A : vector<4000x4xf32>
    %exp3A_32 = math.exp %sub3A_31 : vector<4000x4xf32>
    %reduce_sum3A = arith.constant dense<0.000000e+00> : vector<4000xf32>
    %reduce_sum3A_33 = vector.multi_reduction <add>, %exp3A_32, %reduce_sum3A [1] : vector<4000x4xf32> to vector<4000xf32>
    %broadcast_in_dim3A_34 = vector.shape_cast %reduce_sum3A_33 : vector<4000xf32> to vector<4000x1xf32>
    %div3A_35 = vector.broadcast %broadcast_in_dim3A_34 : vector<4000x1xf32> to vector<4000x4xf32>
    %div3A_36 = arith.divf %exp3A_32, %div3A_35 : vector<4000x4xf32>
    %get3A_37 = arith.constant 0 : index
    %get3A_38 = arith.constant 0 : index
    %get3A_39 = vector.load %arg6[%get3A_37, %get3A_38] : memref<128x512xbf16, #tpu.memory_space<vmem>>, vector<128x512xbf16>
    %dot_general3A_40 = arith.constant dense<0.000000e+00> : vector<4000x512xf32>
    %dot_general3A_41 = tpu.matmul %convert_element_type3A, %get3A_39, %dot_general3A_40 {dimension_numbers = #tpu.dot_dimension_numbers<[1], [0], [0], [1], [0, 0, 1, 1], [], []>, transpose_lhs_hint = false} : vector<4000x128xbf16>, vector<128x512xbf16>, vector<4000x512xf32> -> vector<4000x512xf32>
    %slice3A = vector.extract_strided_slice %div3A_36 {offsets = [0, 0], sizes = [4000, 1], strides = [1, 1]} : vector<4000x4xf32> to vector<4000x1xf32>
    %slice3A_42 = vector.extract_strided_slice %dot_general3A_41 {offsets = [0, 0], sizes = [4000, 128], strides = [1, 1]} : vector<4000x512xf32> to vector<4000x128xf32>
    %mul3A_43 = vector.broadcast %slice3A : vector<4000x1xf32> to vector<4000x128xf32>
    %mul3A_44 = arith.mulf %mul3A_43, %slice3A_42 : vector<4000x128xf32>
    %slice3A_45 = vector.extract_strided_slice %div3A_36 {offsets = [0, 1], sizes = [4000, 1], strides = [1, 1]} : vector<4000x4xf32> to vector<4000x1xf32>
    %slice3A_46 = vector.extract_strided_slice %dot_general3A_41 {offsets = [0, 128], sizes = [4000, 128], strides = [1, 1]} : vector<4000x512xf32> to vector<4000x128xf32>
    %mul3A_47 = vector.broadcast %slice3A_45 : vector<4000x1xf32> to vector<4000x128xf32>
    %mul3A_48 = arith.mulf %mul3A_47, %slice3A_46 : vector<4000x128xf32>
    %add3A_49 = arith.addf %mul3A_44, %mul3A_48 : vector<4000x128xf32>
    %slice3A_50 = vector.extract_strided_slice %div3A_36 {offsets = [0, 2], sizes = [4000, 1], strides = [1, 1]} : vector<4000x4xf32> to vector<4000x1xf32>
    %slice3A_51 = vector.extract_strided_slice %dot_general3A_41 {offsets = [0, 256], sizes = [4000, 128], strides = [1, 1]} : vector<4000x512xf32> to vector<4000x128xf32>
    %mul3A_52 = vector.broadcast %slice3A_50 : vector<4000x1xf32> to vector<4000x128xf32>
    %mul3A_53 = arith.mulf %mul3A_52, %slice3A_51 : vector<4000x128xf32>
    %add3A_54 = arith.addf %add3A_49, %mul3A_53 : vector<4000x128xf32>
    %slice3A_55 = vector.extract_strided_slice %div3A_36 {offsets = [0, 3], sizes = [4000, 1], strides = [1, 1]} : vector<4000x4xf32> to vector<4000x1xf32>
    %slice3A_56 = vector.extract_strided_slice %dot_general3A_41 {offsets = [0, 384], sizes = [4000, 128], strides = [1, 1]} : vector<4000x512xf32> to vector<4000x128xf32>
    %mul3A_57 = vector.broadcast %slice3A_55 : vector<4000x1xf32> to vector<4000x128xf32>
    %mul3A_58 = arith.mulf %mul3A_57, %slice3A_56 : vector<4000x128xf32>
    %add3A_59 = arith.addf %add3A_54, %mul3A_58 : vector<4000x128xf32>
    %swap3A = arith.constant 0 : index
    %swap3A_60 = arith.constant 0 : index
    %swap3A_61 = vector.load %arg7[%swap3A, %swap3A_60] : memref<4000x128xf32, #tpu.memory_space<vmem>>, vector<4000x128xf32>
    tpu.vector_store %arg7[%swap3A, %swap3A_60], %add3A_59 {strides = array<i32>} : memref<4000x128xf32, #tpu.memory_space<vmem>>, vector<4000x128xf32>,
    return
  }
  func.func @transform_0(%arg0: i32) -> (i32, i32) {
    %c0_i32 = arith.constant 0 : i32
    %c0_i32_0 = arith.constant 0 : i32
    return %arg0, %c0_i32 : i32, i32
  }
  func.func @transform_1(%arg0: i32) -> (i32, i32) {
    %c0_i32 = arith.constant 0 : i32
    %c0_i32_0 = arith.constant 0 : i32
    %c0_i32_1 = arith.constant 0 : i32
    return %c0_i32, %c0_i32_0 : i32, i32
  }
  func.func @transform_2(%arg0: i32) -> (i32, i32) {
    %c0_i32 = arith.constant 0 : i32
    %c0_i32_0 = arith.constant 0 : i32
    %c0_i32_1 = arith.constant 0 : i32
    return %c0_i32, %c0_i32_0 : i32, i32
  }
  func.func @transform_3(%arg0: i32) -> (i32, i32) {
    %c0_i32 = arith.constant 0 : i32
    %c0_i32_0 = arith.constant 0 : i32
    %c0_i32_1 = arith.constant 0 : i32
    return %c0_i32, %c0_i32_0 : i32, i32
  }
  func.func @transform_4(%arg0: i32) -> (i32, i32) {
    %c0_i32 = arith.constant 0 : i32
    %c0_i32_0 = arith.constant 0 : i32
    %c0_i32_1 = arith.constant 0 : i32
    return %c0_i32, %c0_i32_0 : i32, i32
  }
  func.func @transform_5(%arg0: i32) -> (i32, i32) {
    %c0_i32 = arith.constant 0 : i32
    %c0_i32_0 = arith.constant 0 : i32
    %c0_i32_1 = arith.constant 0 : i32
    return %c0_i32, %c0_i32_0 : i32, i32
  }
  func.func @transform_6(%arg0: i32) -> (i32, i32) {
    %c0_i32 = arith.constant 0 : i32
    %c0_i32_0 = arith.constant 0 : i32
    return %arg0, %c0_i32 : i32, i32
  }
}

</mosaic_0001>

<sc_bundles>
// kernel: kernel.4.cloned.1.call-start
scs
__scs_entry_jumppad:
0x0: {  	(pc) =	sbr.rel $0x88, $3  }
0x1: {  	(tag) =	ssettag $0x0;
	lr =	simm.s32 $0x1  }
0x2: {  	[smem:$0x3F99] =	sst lr;
	_ =	strace $0xD0000000  }
0x3: {  	_ = 	snop  }
0x4: {  	_ = 	snop  }
0x5: {  	_ = 	snop  }
0x6: {  	_ = 	snop  }
0x7: {  	_ = 	snop  }
__scs_overlays_trampoline_lowered:
0x8: {  	[smem:$0x3FA8] =	sst s0  }
0x9: {  	[smem:$0x3FA9] =	sst s1  }
0xa: {  	[smem:$0x3FAA] =	sst s2  }
0xb: {  	[smem:$0x3FAB] =	sst s3  }
0xc: {  	[smem:$0x3FAC] =	sst s4  }
0xd: {  	[smem:$0x3FAD] =	sst s5  }
0xe: {  	[smem:$0x3FAE] =	sst s6  }
0xf: {  	[smem:$0x3FAF] =	sst s7  }
0x10: {  	[smem:$0x3FB0] =	sst s8  }
0x11: {  	[smem:$0x3FB1] =	sst s9;
	s0 =	simm.s32 @!p0 $0x0  }
0x12: {  	s1 =	sld [smem:$0x3F97];
	s0 =	simm.s32 @p0 $0x1  }
0x13: {  	[smem:$0x3FB2] =	sst s0;
	s0 =	simm.s32 @!p1 $0x0  }
0x14: {  	s2 =	sld [smem:$0x3F96];
	s0 =	simm.s32 @p1 $0x1  }
0x15: {  	[smem:$0x3FB3] =	sst s0;
	s0 =	simm.s32 @!p2 $0x0  }
0x16: {  	s3 =	sld [smem:$0x3FDB];
	s0 =	simm.s32 @p2 $0x1  }
0x17: {  	s4 =	simm.s32 $0x1BF5;
	[smem:$0x3FB5] =	sst s0  }
0x18: {  	s0 =	sld [smem:$0x3F98];
	_ =	swait.ge [sflag:s4], $0x0  }
0x19: {  	s7 =	sld [smem:$0x3F99]  }
0x1a: {  	s8 =	sadd.s32 $0xFFFFE003, lr  }
0x1b: {  	s9 =	sadd.s32 $0xFFFFFEF7, lr;
	s5 =	simm.s32 $0xFFFFFFFF;
	p2 =	slt.u32 s8, $0xFFFFF086  }
0x1c: {  	p1 =	slt.u32 s9, $0xF7A;
	s5 =	simm.s32 @!p2 $0x0  }
0x1d: {  	s5 =	simm.s32 @p1 $0x1;
	p0 =	seq.s32 s7, s2  }
0x1e: {  	s7 =	smul.u32 @!p0 $0xF7A, s2;
	p2 =	seq.s32 @!p0 s5, $0x0  }
0x1f: {  	s9 =	smul.u32 $0xF7A, s1;
	s8 =	simm.s32 @!p0 $0x1BF5;
	p2 =	por !p2, p0  }
0x20: {  	[sflag:s8] =	ssyncset.s32 @!p0 $0xFFFFF086;
	s6 =	sadd.s32 @!p0 s3, s7;
	s7 =	simm.s32 @!p0 $0x108  }
0x21: {  	s3 =	sadd.s32 s3, s9;
	s6 =	sadd.s32 @!p0 $0x88, s6;
	s7 =	simm.s32 @p2 $0x1082  }
0x22: {  	[simem:s7], [sflag:s8] =	dma.local @!p0 [hbm:s6], $0xF7A  }
0x23: {  	s9 =	sor.u32 $0xD0000000, s2;
	s6 =	simm.s32 $0x108;
	_ =	swait.ge @!p0 [sflag:s8], $0x0  }
0x24: {  	s3 =	sadd.s32 $0x88, s3;
	s6 =	simm.s32 @!p1 $0x1082;
	[sflag:s4] =	ssyncset.s32 $0xFFFFF086  }
0x25: {  	[simem:s6], [sflag:s4] =	dma.local [hbm:s3], $0xF7A  }
0x26: {  	[smem:$0x3F99] =	sst s1;
	(tag) =	ssettag s2;
	_ =	strace s9  }
0x27: {  	s1 =	sld [smem:$0x3FA9]  }
0x28: {  	s2 =	sld [smem:$0x3FAA]  }
0x29: {  	s4 =	sld [smem:$0x3FAC]  }
0x2a: {  	p0 =	seq.s32 s5, $0x0;
	s5 =	sld [smem:$0x3FAD]  }
0x2b: {  	s6 =	sld [smem:$0x3FAE]  }
0x2c: {  	s7 =	sld [smem:$0x3FAF]  }
0x2d: {  	s3 =	simm.s32 $0x108;
	s8 =	sld [smem:$0x3FB0]  }
0x2e: {  	s3 =	simm.s32 @!p0 $0x1082;
	s9 =	sld [smem:$0x3FB1]  }
0x2f: {  	lr =	sadd.s32 s0, s3;
	s0 =	sld [smem:$0x3FA8]  }
0x30: {  	s3 =	sld [smem:$0x3FAB]  }
0x31: {  	[smem:$0x3FB4] =	sst s10  }
0x32: {  	s10 =	sld [smem:$0x3FB2];
	_ =	sdelay $0x3  }
0x33: {  	p0 =	seq.s32 s10, $0x1;
	s10 =	sld [smem:$0x3FB4];
	_ =	sdelay $0x3  }
0x34: {  	[smem:$0x3FB4] =	sst s10  }
0x35: {  	s10 =	sld [smem:$0x3FB3];
	_ =	sdelay $0x3  }
0x36: {  	p1 =	seq.s32 s10, $0x1;
	s10 =	sld [smem:$0x3FB4];
	_ =	sdelay $0x3  }
0x37: {  	[smem:$0x3FB4] =	sst s10  }
0x38: {  	s10 =	sld [smem:$0x3FB5]  }
0x39: {  	_ = 	snop;
	(pc) =	sbr.ind lr, $3  }
0x3a: {  	_ = 	snop  }
0x3b: {  	_ = 	snop  }
0x3c: {  	p2 =	seq.s32 s10, $0x1;
	s10 =	sld [smem:$0x3FB4]  }
0x3d: {  	_ =	shalt  }
0x3e: {  	_ =	shalt  }
0x3f: {  	_ =	shalt  }
0x40: {  	_ =	shalt  }
0x41: {  	_ =	shalt  }
0x42: {  	_ =	shalt  }
0x43: {  	_ =	shalt  }
0x44: {  	_ =	shalt  }
0x45: {  	_ =	shalt  }
0x46: {  	_ =	shalt  }
0x47: {  	_ =	shalt  }
0x48: {  	_ =	shalt  }
0x49: {  	_ =	shalt  }
0x4a: {  	_ =	shalt  }
0x4b: {  	_ =	shalt  }
0x4c: {  	_ =	shalt  }
0x4d: {  	_ =	shalt  }
0x4e: {  	_ =	shalt  }
0x4f: {  	_ =	shalt  }
0x50: {  	_ =	shalt  }
0x51: {  	_ =	shalt  }
0x52: {  	_ =	shalt  }
0x53: {  	_ =	shalt  }
0x54: {  	_ =	shalt  }
0x55: {  	_ =	shalt  }
0x56: {  	_ =	shalt  }
0x57: {  	_ =	shalt  }
0x58: {  	_ =	shalt  }
0x59: {  	_ =	shalt  }
0x5a: {  	_ =	shalt  }
0x5b: {  	_ =	shalt  }
0x5c: {  	_ =	shalt  }
0x5d: {  	_ =	shalt  }
0x5e: {  	_ =	shalt  }
0x5f: {  	_ =	shalt  }
0x60: {  	_ =	shalt  }
0x61: {  	_ =	shalt  }
0x62: {  	_ =	shalt  }
0x63: {  	_ =	shalt  }
0x64: {  	_ =	shalt  }
0x65: {  	_ =	shalt  }
0x66: {  	_ =	shalt  }
0x67: {  	_ =	shalt  }
0x68: {  	_ =	shalt  }
0x69: {  	_ =	shalt  }
0x6a: {  	_ =	shalt  }
0x6b: {  	_ =	shalt  }
0x6c: {  	_ =	shalt  }
0x6d: {  	_ =	shalt  }
0x6e: {  	_ =	shalt  }
0x6f: {  	_ =	shalt  }
0x70: {  	_ =	shalt  }
0x71: {  	_ =	shalt  }
0x72: {  	_ =	shalt  }
0x73: {  	_ =	shalt  }
0x74: {  	_ =	shalt  }
0x75: {  	_ =	shalt  }
0x76: {  	_ =	shalt  }
0x77: {  	_ =	shalt  }
0x78: {  	_ =	shalt  }
0x79: {  	_ =	shalt  }
0x7a: {  	_ =	shalt  }
0x7b: {  	_ =	shalt  }
0x7c: {  	_ =	shalt  }
0x7d: {  	_ =	shalt  }
0x7e: {  	_ =	shalt  }
0x7f: {  	_ =	shalt  }
0x80: {  	_ =	shalt  }
0x81: {  	_ =	shalt  }
0x82: {  	_ =	shalt  }
0x83: {  	_ =	shalt  }
0x84: {  	_ =	shalt  }
0x85: {  	_ =	shalt  }
0x86: {  	_ =	shalt  }
0x87: {  	_ =	shalt  }
.Lfunc_end0:
.L_simem_size_0:
called_computation_lowered:
.L_overlay_start_0:
0x88: {  	s2 =	sld [smem:$0x3FD9]  }
0x89: {  	s3 =	sld [smem:$0x3FFE];
	_ =	sdelay $0x1  }
0x8a: {  	s1 =	srdreg.scid  }
0x8b: {  	s0 =	sand.u32 $0x1, s1  }
0x8c: {  	s17 =	sshll.u32 s0, $0xA;
	s2 =	sadd.s32 s3, s2  }
0x8d: {  	s2 =	sadd.s32 s2, s17  }
0x8e: {  	[smem:$0x3FC0] =	sst s2  }
0x8f: {  	_ = 	snop  }
0x90: {  	s2 =	sld [smem:$0x3FC2]  }
0x91: {  	s18 =	sld [smem:$0x3FD0];
	(tm) =	ssettm $0x1  }
0x92: {  	s4 =	sld [smem:$0x3FFB];
	_ =	sdelay $0x3  }
0x93: {  	_ =	strace s4  }
0x94: {  	s4 =	sld [smem:$0x3FFC];
	_ =	sdelay $0x3  }
0x95: {  	_ =	strace s4  }
0x96: {  	s4 =	sld [smem:$0x3FFD];
	_ =	sdelay $0x3  }
0x97: {  	_ =	strace s4  }
0x98: {  	_ =	strace $0x8FFFFFFF  }
0x99: {  	s19 =	sld [smem:$0x3FDB];
	_ =	sdelay $0x1  }
0x9a: {  	s5 =	simm.s32 $_scs_section_size  }
0x9b: {  	s6 =	simm.s32 $_size__tile_overlayer_lowered;
	s7 =	simm.s32 $_tile_overlayer_lowered  }
0x9c: {  	s22 =	simm.s32 $0x1BFF;
	s21 =	sshll.u32 s7, $0x1;
	s4 =	sadd.s32 s5, s19  }
0x9d: {  	s8 =	simm.s32 $0x0;
	s20 =	sshll.u32 s6, $0x1;
	s6 =	sadd.s32 s21, s4  }
0x9e: {  	[timem:s8], [sflag:s22] =	dma.local [hbm:s6], s20  }
0x9f: {  	_ =	swait.ge [sflag:s22], s20  }
0xa0: {  	s5 =	ssub.s32 $0x0, s20;
	[sflag:s22] =	ssyncset.done $0x0  }
0xa1: {  	[sflag:s22] =	ssyncadd.s32 s5;
	_ =	sdelay $0x1  }
0xa2: {  	s23 =	simm.s32 $0x1B8B  }
0xa3: {  	_ =	swait.ge [sflag:s23], $0x1  }
0xa4: {  	[sflag:s23] =	ssyncset.done $0x0  }
0xa5: {  	s25 =	simm.s32 $0x1B8E;
	s24 =	sld [smem:$0x3FFE];
	[sflag:s23] =	ssyncadd.s32 $0xFFFFFFFF  }
0xa6: {  	s26 =	simm.s32 $execute0_lowered;
	[smem:$0x3FD2] =	sst s25  }
0xa7: {  	s6 =	sshll.u32 s26, $0x1;
	_ =	strace $0x80000046;
	[dreg:$0x1] =	wrdreg $0xFFFFFFFF  }
0xa8: {  	s28 =	simm.s32 $_size_execute0_lowered;
	s4 =	sadd.s32 s4, s6;
	[dreg:$0x0] =	wrdreg $0x0  }
0xa9: {  	s6 =	sshll.u32 s28, $0x1;
	[dreg:$0x2] =	wrdreg s4  }
0xaa: {  	[dreg:$0x3] =	wrdreg s6  }
0xab: {  	[dreg:$0x4] =	wrdreg $0xC0  }
0xac: {  	_ =	task [dreg:s8], $0x5FFFF  }
0xad: {  	[dreg:$0x1] =	wrdreg $0xFFFFFFFF  }
0xae: {  	[dreg:$0x0] =	wrdreg $0x60  }
0xaf: {  	[dreg:$0x2] =	wrdreg s24  }
0xb0: {  	[dreg:$0x3] =	wrdreg s2  }
0xb1: {  	[dreg:$0x4] =	wrdreg s18  }
0xb2: {  	[dreg:$0x5] =	wrdreg $0x9  }
0xb3: {  	_ =	task.clear_ibuf [dreg:s8], $0x6FFFF;
	_ =	strace $0x90000046  }
0xb4: {  	s29 =	simm.s32 $0x9;
	_ =	strace $0x80000048  }
0xb5: {  	_ =	swait.ge [sflag:s29], $0x1  }
0xb6: {  	[sflag:s29] =	ssyncadd.s32 $0xFFFFFFFF  }
0xb7: {  	_ =	strace $0x90000048  }
0xb8: {  	_ =	sfence  }
0xb9: {  	s30 =	sld [smem:$0x0];
	_ =	sdelay $0x2  }
0xba: {  	s31 =	sshll.u32 s1, $0xD;
	s1 =	sshrl.u32 s1, $0x2  }
0xbb: {  	s3 =	sand.u32 $0x4000, s31;
	s1 =	sadd.s32 s1, s30  }
0xbc: {  	s0 =	sor.u32 s3, s0;
	s1 =	sshll.u32 s1, $0x11  }
0xbd: {  	s0 =	sor.u32 s1, s0  }
0xbe: {  	s0 =	sadd.s32 $0x8F2B, s0  }
0xbf: {  	[sflag:s0] =	ssyncadd.remote.s32 $0x1  }
0xc0: {  	_ =	sfence.sel $0xFFFF  }
0xc1: {  	[dreg:$0x0] =	wrdreg $0xFFFFFFFF;
	(pc) =	sbr.abs _section_cstart, $3  }
0xc2: {  	[dreg:$0x1] =	wrdreg $0xFFFFFFFF  }
0xc3: {  	_ =	task.clear_ibuf [dreg:s8], $0x2FFFF;
	_ =	strace $0x9FFFFFFF  }
0xc4: {  	(tm) =	ssettm $0x7FFFFFFF  }
0xc5: {  	_ =	shalt  }
tec
execute0_lowered:
.L_overlay_start_1:
0x0: {  	(tag) =	ssettag $0x1  }
0x1: {  	s4 =	rddreg [dreg:$0x0]  }
0x2: {  	s2 =	rddreg [dreg:$0x1]  }
0x3: {  	s6 =	rddreg [dreg:$0x2]  }
0x4: {  	s3 =	srdreg.scid;
	s0 =	rddreg [dreg:$0x3]  }
0x5: {  	s1 =	stileid.u32;
	s10 =	simm.s32 $0x60;
	s11 =	simm.s32 $0x1000  }
0x6: {  	s12 =	simm.s32 $0x80;
	s13 =	simm.s32 $0x4000;
	s14 =	simm.s32 $0x100  }
0x7: {  	s15 =	simm.s32 $0x7000;
	s16 =	simm.s32 $0x180;
	s17 =	simm.s32 $0xA000  }
0x8: {  	s18 =	simm.s32 $0x1;
	s19 =	simm.s32 $0x2;
	s20 =	simm.s32 $0x3  }
0x9: {  	s21 =	simm.s32 $0x4;
	s22 =	simm.s32 $0xD080;
	s23 =	simm.s32 $0x0  }
0xa: {  	s5 =	sand.u32 $0x1, s3;
	s3 =	simm.s32 $0x0;
	s7 =	sshll.u32 s1, $0xA  }
.Ltmp0:
0xb: {  	s8 =	sshll.u32 s5, $0x9;
	[smem:$0x7FF] =	sst s3;
	(pc) =	sbr.rel .LBB2_1-.Ltmp0, $4  }
0xc: {  	s5 =	ssub.s32 $0x2, s5;
	s7 =	sor.u32 s8, s7;
	_ =	strace $0x80000047  }
0xd: {  	s9 =	sshrl.u32 s5, $0x1;
	s8 =	sadd.s32 s7, s4;
	s4 =	sadd.s32 $0x4800, s4  }
0xe: {  	s9 =	ssub.s32 s5, s9;
	s6 =	sadd.s32 s6, s7;
	s5 =	sadd.s32 $0x800, s8  }
0xf: {  	s7 =	smax.u32 s9, $0x1;
	s8 =	simm.s32 $0x5;
	s9 =	simm.s32 $0xD000  }
.LBB2_12:
0x10: {  	s23 =	sadd.s32 $0x1, s23  }
0x11: {  	p0 =	sne.s32 s23, s7  }
.Ltmp1:
0x12: {  	_ = 	snop;
	(pc) =	sbr.rel @!p0 .LBB2_13-.Ltmp1, $4  }
0x13: {  	[hbm4b:s6+s3] =	stream.linear.scatter [tilespmem:s22], [sflag:$0x5], $0x1000, $0x38;
	[tilespmem:$0xE080] =	vst v63  }
0x14: {  	_ =	swait.ge [sflag:s8], $0x1000  }
0x15: {  	[sflag:s8] =	ssyncset.done $0x0  }
0x16: {  	[sflag:s8] =	ssyncadd.s32 $0xFFFFF000  }
.LBB2_1:
0x17: {  	[tilespmem:s3], [sflag:$0x5] =	stream.linear.gather [hbm4b:s5+s3], $0x1000, $0x38;
	[tilespmem:$0xE080] =	vst v63  }
0x18: {  	_ =	swait.ge [sflag:s8], $0x1000  }
0x19: {  	[sflag:s8] =	ssyncset.done $0x0  }
0x1a: {  	[sflag:s8] =	ssyncadd.s32 $0xFFFFF000  }
0x1b: {  	[tilespmem:s9], [sflag:$0x5] =	stream.linear.gather [hbm4b:s2+s3], $0x80, $0x38;
	[tilespmem:$0xE080] =	vst v63  }
0x1c: {  	_ =	swait.ge [sflag:s8], $0x80  }
0x1d: {  	[sflag:s8] =	ssyncset.done $0x0  }
0x1e: {  	[sflag:s8] =	ssyncadd.s32 $0xFFFFFF80  }
0x1f: {  	[tilespmem:s11], [sflag:$0x1] =	stream.indirect.gather [hbm4b:s4+s10], $0x80, s3, s10, $0xb8;
	[tilespmem:$0xE080] =	vst v63  }
0x20: {  	_ = 	snop  }
0x21: {  	[tilespmem:s13], [sflag:$0x2] =	stream.indirect.gather [hbm4b:s4+s10], $0x80, s12, s10, $0xb8;
	[tilespmem:$0xE080] =	vst v63  }
0x22: {  	_ = 	snop  }
0x23: {  	[tilespmem:s15], [sflag:$0x3] =	stream.indirect.gather [hbm4b:s4+s10], $0x80, s14, s10, $0xb8;
	[tilespmem:$0xE080] =	vst v63  }
0x24: {  	s24 =	simm.s32 $0x0  }
0x25: {  	[tilespmem:s17], [sflag:$0x4] =	stream.indirect.gather [hbm4b:s4+s10], $0x80, s16, s10, $0xb8;
	[tilespmem:$0xE080] =	vst v63  }
.LBB2_2:
0x26: {  	_ =	swait.ge [sflag:s18], $0x3000  }
0x27: {  	[sflag:s18] =	ssyncset.done $0x0  }
0x28: {  	s28 =	simm.s32 $0x0;
	[sflag:s18] =	ssyncadd.s32 $0xFFFFD000  }
0x29: {  	v0 =	vld [tilespmem:s28+$0x1070]  }
0x2a: {  	v1 =	vld [tilespmem:s28+$0x1000]  }
0x2b: {  	v2 =	vld [tilespmem:s28+$0x1010]  }
0x2c: {  	v10 =	vld [tilespmem:s28+$0x1020]  }
0x2d: {  	v8 =	vld [tilespmem:s28+$0x1030]  }
0x2e: {  	v9 =	vimm.f32 $0.0e+00;
	v7 =	vimm.f32 $0.0e+00;
	v5 =	vld [tilespmem:s28+$0x1040]  }
0x2f: {  	v6 =	vimm.f32 $0.0e+00;
	v3 =	vimm.f32 $0.0e+00;
	v4 =	vld [tilespmem:s28+$0x1050];
	v0 =	vadd.f32 v0, v9  }
0x30: {  	s25 =	simm.s32 $0x80;
	s26 =	simm.s32 $0x400;
	v12 =	vadd.f32 v1, v9;
	v11 =	vadd.f32 v2, v9;
	v2 =	vld [tilespmem:s28+$0x1060];
	v1 =	vimm.f32 $0.0e+00  }
.LBB2_3:
0x31: {  	p0 =	sne.s32 s26, $0xBE00;
	v13 =	vld [tilespmem:s25+$0x1070];
	v9 =	vadd.f32 v10, v9  }
0x32: {  	v14 =	vld [tilespmem:s25+$0x1000];
	v7 =	vadd.f32 v8, v7  }
0x33: {  	v15 =	vld [tilespmem:s25+$0x1010];
	v6 =	vadd.f32 v5, v6  }
.Ltmp2:
0x34: {  	v10 =	vld [tilespmem:s25+$0x1020];
	v3 =	vadd.f32 v4, v3;
	(pc) =	sbr.rel @p0 .LBB2_3-.Ltmp2, $4  }
0x35: {  	v8 =	vld [tilespmem:s25+$0x1030];
	v1 =	vadd.f32 v2, v1  }
0x36: {  	v5 =	vld [tilespmem:s25+$0x1040];
	v0 =	vadd.f32 v13, v0  }
0x37: {  	v12 =	vadd.f32 v14, v12;
	v4 =	vld [tilespmem:s25+$0x1050]  }
0x38: {  	v11 =	vadd.f32 v15, v11;
	v2 =	vld [tilespmem:s25+$0x1060];
	s25 =	sshra.s32 s26, $0x2;
	s26 =	sadd.s32 $0x200, s26  }
0x39: {  	v13 =	vld [tilespmem:s25+$0x1000];
	_ =	sdelay $0x1  }
0x3a: {  	v14 =	vld [tilespmem:$0xD000];
	_ =	sdelay $0x2  }
0x3b: {  	v12 =	vadd.f32 v13, v12;
	_ =	sdelay $0x1  }
0x3c: {  	v12 =	vadd.f32 v14, v12;
	_ =	sdelay $0x1  }
0x3d: {  	v13 =	vsub.f32 $0.0e+00, v12;
	_ =	sdelay $0x1  }
0x3e: {  	v13 =	vmul.f32 $1.442695020e+00, v13;
	_ =	sdelay $0x1  }
0x3f: {  	(erf) = vpow2.f32 v13;
	_ =	sdelay $0x8  }
0x40: {  	v13 =	vpop (erf)  }
0x41: {  	v13 =	vadd.f32 $1.000000000e+00, v13;
	_ =	sdelay $0x1  }
0x42: {  	(erf) = vrcp.f32 v13;
	_ =	sdelay $0x4  }
0x43: {  	v15 =	vld [tilespmem:s25+$0x1020]  }
0x44: {  	v16 =	vld [tilespmem:s25+$0x1030]  }
0x45: {  	v17 =	vld [tilespmem:s25+$0x1040]  }
0x46: {  	v19 =	vld [tilespmem:s25+$0x1050]  }
0x47: {  	v63 =	vld [tilespmem:s25+$0x1060];
	v18 =	vpop (erf)  }
0x48: {  	s26 =	sshll.u32 s24, $0xB;
	v14 =	vld [tilespmem:s25+$0x1010];
	v12 =	vmul.f32 v18, v12  }
0x49: {  	v13 =	vld [tilespmem:s25+$0x1070];
	s25 =	sshrl.u32 s26, $0x2  }
0x4a: {  	[tilespmem:s25+$0xD080] =	vst v12  }
0x4b: {  	v12 =	vld [tilespmem:$0xD010];
	_ =	sdelay $0x2  }
0x4c: {  	v11 =	vadd.f32 v14, v11;
	_ =	sdelay $0x1  }
0x4d: {  	v11 =	vadd.f32 v12, v11;
	_ =	sdelay $0x1  }
0x4e: {  	v12 =	vsub.f32 $0.0e+00, v11;
	_ =	sdelay $0x1  }
0x4f: {  	v12 =	vmul.f32 $1.442695020e+00, v12;
	_ =	sdelay $0x1  }
0x50: {  	(erf) = vpow2.f32 v12;
	_ =	sdelay $0x8  }
0x51: {  	v12 =	vpop (erf)  }
0x52: {  	v12 =	vadd.f32 $1.000000000e+00, v12;
	_ =	sdelay $0x1  }
0x53: {  	(erf) = vrcp.f32 v12;
	_ =	sdelay $0x8  }
0x54: {  	v12 =	vpop (erf)  }
0x55: {  	v11 =	vmul.f32 v12, v11;
	_ =	sdelay $0x1  }
0x56: {  	[tilespmem:s25+$0xD090] =	vst v11  }
0x57: {  	v11 =	vld [tilespmem:$0xD020]  }
0x58: {  	v9 =	vadd.f32 v10, v9;
	_ =	sdelay $0x1  }
0x59: {  	v9 =	vadd.f32 v15, v9;
	_ =	sdelay $0x1  }
0x5a: {  	v9 =	vadd.f32 v11, v9;
	_ =	sdelay $0x1  }
0x5b: {  	v10 =	vsub.f32 $0.0e+00, v9;
	_ =	sdelay $0x1  }
0x5c: {  	v10 =	vmul.f32 $1.442695020e+00, v10;
	_ =	sdelay $0x1  }
0x5d: {  	(erf) = vpow2.f32 v10;
	_ =	sdelay $0x8  }
0x5e: {  	v10 =	vpop (erf)  }
0x5f: {  	v10 =	vadd.f32 $1.000000000e+00, v10;
	_ =	sdelay $0x1  }
0x60: {  	(erf) = vrcp.f32 v10;
	_ =	sdelay $0x8  }
0x61: {  	v10 =	vpop (erf)  }
0x62: {  	v9 =	vmul.f32 v10, v9;
	_ =	sdelay $0x1  }
0x63: {  	[tilespmem:s25+$0xD0A0] =	vst v9  }
0x64: {  	v9 =	vld [tilespmem:$0xD030]  }
0x65: {  	v7 =	vadd.f32 v8, v7;
	_ =	sdelay $0x1  }
0x66: {  	v7 =	vadd.f32 v16, v7;
	_ =	sdelay $0x1  }
0x67: {  	v7 =	vadd.f32 v9, v7;
	_ =	sdelay $0x1  }
0x68: {  	v8 =	vsub.f32 $0.0e+00, v7;
	_ =	sdelay $0x1  }
0x69: {  	v8 =	vmul.f32 $1.442695020e+00, v8;
	_ =	sdelay $0x1  }
0x6a: {  	(erf) = vpow2.f32 v8;
	_ =	sdelay $0x8  }
0x6b: {  	v8 =	vpop (erf)  }
0x6c: {  	v8 =	vadd.f32 $1.000000000e+00, v8;
	_ =	sdelay $0x1  }
0x6d: {  	(erf) = vrcp.f32 v8;
	_ =	sdelay $0x8  }
0x6e: {  	v8 =	vpop (erf)  }
0x6f: {  	v7 =	vmul.f32 v8, v7;
	_ =	sdelay $0x1  }
0x70: {  	[tilespmem:s25+$0xD0B0] =	vst v7  }
0x71: {  	v7 =	vld [tilespmem:$0xD040]  }
0x72: {  	v5 =	vadd.f32 v5, v6;
	_ =	sdelay $0x1  }
0x73: {  	v5 =	vadd.f32 v17, v5;
	_ =	sdelay $0x1  }
0x74: {  	v5 =	vadd.f32 v7, v5;
	_ =	sdelay $0x1  }
0x75: {  	v6 =	vsub.f32 $0.0e+00, v5;
	_ =	sdelay $0x1  }
0x76: {  	v6 =	vmul.f32 $1.442695020e+00, v6;
	_ =	sdelay $0x1  }
0x77: {  	(erf) = vpow2.f32 v6;
	_ =	sdelay $0x8  }
0x78: {  	v6 =	vpop (erf)  }
0x79: {  	v6 =	vadd.f32 $1.000000000e+00, v6;
	_ =	sdelay $0x1  }
0x7a: {  	(erf) = vrcp.f32 v6;
	_ =	sdelay $0x8  }
0x7b: {  	v6 =	vpop (erf)  }
0x7c: {  	v5 =	vmul.f32 v6, v5;
	_ =	sdelay $0x1  }
0x7d: {  	[tilespmem:s25+$0xD0C0] =	vst v5  }
0x7e: {  	v5 =	vld [tilespmem:$0xD050]  }
0x7f: {  	v3 =	vadd.f32 v4, v3;
	_ =	sdelay $0x1  }
0x80: {  	v3 =	vadd.f32 v19, v3;
	_ =	sdelay $0x1  }
0x81: {  	v3 =	vadd.f32 v5, v3;
	_ =	sdelay $0x1  }
0x82: {  	v4 =	vsub.f32 $0.0e+00, v3;
	_ =	sdelay $0x1  }
0x83: {  	v4 =	vmul.f32 $1.442695020e+00, v4;
	_ =	sdelay $0x1  }
0x84: {  	(erf) = vpow2.f32 v4;
	_ =	sdelay $0x8  }
0x85: {  	v4 =	vpop (erf)  }
0x86: {  	v4 =	vadd.f32 $1.000000000e+00, v4;
	_ =	sdelay $0x1  }
0x87: {  	(erf) = vrcp.f32 v4;
	_ =	sdelay $0x8  }
0x88: {  	v4 =	vpop (erf)  }
0x89: {  	v3 =	vmul.f32 v4, v3;
	_ =	sdelay $0x1  }
0x8a: {  	[tilespmem:s25+$0xD0D0] =	vst v3  }
0x8b: {  	v3 =	vld [tilespmem:$0xD060]  }
0x8c: {  	v1 =	vadd.f32 v2, v1;
	_ =	sdelay $0x1  }
0x8d: {  	v1 =	vadd.f32 v63, v1;
	_ =	sdelay $0x1  }
0x8e: {  	v1 =	vadd.f32 v3, v1;
	_ =	sdelay $0x1  }
0x8f: {  	v2 =	vsub.f32 $0.0e+00, v1;
	_ =	sdelay $0x1  }
0x90: {  	v2 =	vmul.f32 $1.442695020e+00, v2;
	_ =	sdelay $0x1  }
0x91: {  	(erf) = vpow2.f32 v2;
	_ =	sdelay $0x8  }
0x92: {  	v2 =	vpop (erf)  }
0x93: {  	v2 =	vadd.f32 $1.000000000e+00, v2;
	_ =	sdelay $0x1  }
0x94: {  	(erf) = vrcp.f32 v2;
	_ =	sdelay $0x8  }
0x95: {  	v2 =	vpop (erf)  }
0x96: {  	v1 =	vmul.f32 v2, v1;
	_ =	sdelay $0x1  }
0x97: {  	[tilespmem:s25+$0xD0E0] =	vst v1  }
0x98: {  	v1 =	vld [tilespmem:$0xD070];
	_ =	sdelay $0x2  }
0x99: {  	v0 =	vadd.f32 v13, v0;
	_ =	sdelay $0x1  }
0x9a: {  	v0 =	vadd.f32 v1, v0;
	_ =	sdelay $0x1  }
0x9b: {  	v1 =	vsub.f32 $0.0e+00, v0;
	_ =	sdelay $0x1  }
0x9c: {  	v1 =	vmul.f32 $1.442695020e+00, v1;
	_ =	sdelay $0x1  }
0x9d: {  	(erf) = vpow2.f32 v1;
	_ =	sdelay $0x8  }
0x9e: {  	v1 =	vpop (erf)  }
0x9f: {  	v1 =	vadd.f32 $1.000000000e+00, v1;
	_ =	sdelay $0x1  }
0xa0: {  	(erf) = vrcp.f32 v1;
	_ =	sdelay $0x8  }
0xa1: {  	v1 =	vpop (erf)  }
0xa2: {  	p0 =	seq.s32 s24, $0x7;
	v0 =	vmul.f32 v1, v0  }
0xa3: {  	s26 =	sshrl.u32 @!p0 s26, $0x2  }
0xa4: {  	s29 =	simm.s32 @!p0 $0x60;
	s30 =	simm.s32 @!p0 $0x1000;
	s28 =	sadd.s32 @!p0 $0x200, s26;
	[tilespmem:s25+$0xD0F0] =	vst v0  }
0xa5: {  	[tilespmem:s30], [sflag:$0x1] =	stream.indirect.gather @!p0 [hbm4b:s4+s29], $0x80, s28, s29, $0xb8;
	[tilespmem:$0xE080] =	vst v63  }
0xa6: {  	_ =	swait.ge [sflag:s19], $0x3000  }
0xa7: {  	[sflag:s19] =	ssyncset.done $0x0  }
0xa8: {  	s31 =	simm.s32 $0x0;
	[sflag:s19] =	ssyncadd.s32 $0xFFFFD000  }
0xa9: {  	v0 =	vld [tilespmem:s31+$0x4070]  }
0xaa: {  	v1 =	vld [tilespmem:s31+$0x4000]  }
0xab: {  	v2 =	vld [tilespmem:s31+$0x4010]  }
0xac: {  	v10 =	vld [tilespmem:s31+$0x4020]  }
0xad: {  	v8 =	vld [tilespmem:s31+$0x4030]  }
0xae: {  	v9 =	vimm.f32 $0.0e+00;
	v7 =	vimm.f32 $0.0e+00;
	v5 =	vld [tilespmem:s31+$0x4040]  }
0xaf: {  	v6 =	vimm.f32 $0.0e+00;
	v3 =	vimm.f32 $0.0e+00;
	v4 =	vld [tilespmem:s31+$0x4050];
	v0 =	vadd.f32 v0, v9  }
0xb0: {  	s28 =	simm.s32 $0x80;
	s29 =	simm.s32 $0x400;
	v12 =	vadd.f32 v1, v9;
	v11 =	vadd.f32 v2, v9;
	v2 =	vld [tilespmem:s31+$0x4060];
	v1 =	vimm.f32 $0.0e+00  }
.LBB2_5:
0xb1: {  	p1 =	sne.s32 s29, $0xBE00;
	v13 =	vld [tilespmem:s28+$0x4070];
	v9 =	vadd.f32 v10, v9  }
0xb2: {  	v14 =	vld [tilespmem:s28+$0x4000];
	v7 =	vadd.f32 v8, v7  }
0xb3: {  	v15 =	vld [tilespmem:s28+$0x4010];
	v6 =	vadd.f32 v5, v6  }
.Ltmp3:
0xb4: {  	v10 =	vld [tilespmem:s28+$0x4020];
	v3 =	vadd.f32 v4, v3;
	(pc) =	sbr.rel @p1 .LBB2_5-.Ltmp3, $4  }
0xb5: {  	v8 =	vld [tilespmem:s28+$0x4030];
	v1 =	vadd.f32 v2, v1  }
0xb6: {  	v5 =	vld [tilespmem:s28+$0x4040];
	v0 =	vadd.f32 v13, v0  }
0xb7: {  	v12 =	vadd.f32 v14, v12;
	v4 =	vld [tilespmem:s28+$0x4050]  }
0xb8: {  	v11 =	vadd.f32 v15, v11;
	v2 =	vld [tilespmem:s28+$0x4060];
	s28 =	sshra.s32 s29, $0x2;
	s29 =	sadd.s32 $0x200, s29  }
0xb9: {  	v13 =	vld [tilespmem:s28+$0x4000];
	_ =	sdelay $0x1  }
0xba: {  	v14 =	vld [tilespmem:$0xD000];
	_ =	sdelay $0x2  }
0xbb: {  	v12 =	vadd.f32 v13, v12;
	_ =	sdelay $0x1  }
0xbc: {  	v12 =	vadd.f32 v14, v12;
	_ =	sdelay $0x1  }
0xbd: {  	v13 =	vsub.f32 $0.0e+00, v12;
	_ =	sdelay $0x1  }
0xbe: {  	v13 =	vmul.f32 $1.442695020e+00, v13;
	_ =	sdelay $0x1  }
0xbf: {  	(erf) = vpow2.f32 v13;
	_ =	sdelay $0x8  }
0xc0: {  	v13 =	vpop (erf)  }
0xc1: {  	v13 =	vadd.f32 $1.000000000e+00, v13;
	_ =	sdelay $0x1  }
0xc2: {  	(erf) = vrcp.f32 v13;
	_ =	sdelay $0x5  }
0xc3: {  	v15 =	vld [tilespmem:s28+$0x4020]  }
0xc4: {  	v16 =	vld [tilespmem:s28+$0x4030]  }
0xc5: {  	v17 =	vld [tilespmem:s28+$0x4040]  }
0xc6: {  	v19 =	vld [tilespmem:s28+$0x4050];
	v18 =	vpop (erf)  }
0xc7: {  	v63 =	vld [tilespmem:s28+$0x4060];
	v12 =	vmul.f32 v18, v12  }
0xc8: {  	v14 =	vld [tilespmem:s28+$0x4010]  }
0xc9: {  	v13 =	vld [tilespmem:s28+$0x4070];
	[tilespmem:s25+$0xD100] =	vst v12  }
0xca: {  	v12 =	vld [tilespmem:$0xD010];
	_ =	sdelay $0x2  }
0xcb: {  	v11 =	vadd.f32 v14, v11;
	_ =	sdelay $0x1  }
0xcc: {  	v11 =	vadd.f32 v12, v11;
	_ =	sdelay $0x1  }
0xcd: {  	v12 =	vsub.f32 $0.0e+00, v11;
	_ =	sdelay $0x1  }
0xce: {  	v12 =	vmul.f32 $1.442695020e+00, v12;
	_ =	sdelay $0x1  }
0xcf: {  	(erf) = vpow2.f32 v12;
	_ =	sdelay $0x8  }
0xd0: {  	v12 =	vpop (erf)  }
0xd1: {  	v12 =	vadd.f32 $1.000000000e+00, v12;
	_ =	sdelay $0x1  }
0xd2: {  	(erf) = vrcp.f32 v12;
	_ =	sdelay $0x8  }
0xd3: {  	v12 =	vpop (erf)  }
0xd4: {  	v11 =	vmul.f32 v12, v11;
	_ =	sdelay $0x1  }
0xd5: {  	[tilespmem:s25+$0xD110] =	vst v11  }
0xd6: {  	v11 =	vld [tilespmem:$0xD020]  }
0xd7: {  	v9 =	vadd.f32 v10, v9;
	_ =	sdelay $0x1  }
0xd8: {  	v9 =	vadd.f32 v15, v9;
	_ =	sdelay $0x1  }
0xd9: {  	v9 =	vadd.f32 v11, v9;
	_ =	sdelay $0x1  }
0xda: {  	v10 =	vsub.f32 $0.0e+00, v9;
	_ =	sdelay $0x1  }
0xdb: {  	v10 =	vmul.f32 $1.442695020e+00, v10;
	_ =	sdelay $0x1  }
0xdc: {  	(erf) = vpow2.f32 v10;
	_ =	sdelay $0x8  }
0xdd: {  	v10 =	vpop (erf)  }
0xde: {  	v10 =	vadd.f32 $1.000000000e+00, v10;
	_ =	sdelay $0x1  }
0xdf: {  	(erf) = vrcp.f32 v10;
	_ =	sdelay $0x8  }
0xe0: {  	v10 =	vpop (erf)  }
0xe1: {  	v9 =	vmul.f32 v10, v9;
	_ =	sdelay $0x1  }
0xe2: {  	[tilespmem:s25+$0xD120] =	vst v9  }
0xe3: {  	v9 =	vld [tilespmem:$0xD030]  }
0xe4: {  	v7 =	vadd.f32 v8, v7;
	_ =	sdelay $0x1  }
0xe5: {  	v7 =	vadd.f32 v16, v7;
	_ =	sdelay $0x1  }
0xe6: {  	v7 =	vadd.f32 v9, v7;
	_ =	sdelay $0x1  }
0xe7: {  	v8 =	vsub.f32 $0.0e+00, v7;
	_ =	sdelay $0x1  }
0xe8: {  	v8 =	vmul.f32 $1.442695020e+00, v8;
	_ =	sdelay $0x1  }
0xe9: {  	(erf) = vpow2.f32 v8;
	_ =	sdelay $0x8  }
0xea: {  	v8 =	vpop (erf)  }
0xeb: {  	v8 =	vadd.f32 $1.000000000e+00, v8;
	_ =	sdelay $0x1  }
0xec: {  	(erf) = vrcp.f32 v8;
	_ =	sdelay $0x8  }
0xed: {  	v8 =	vpop (erf)  }
0xee: {  	v7 =	vmul.f32 v8, v7;
	_ =	sdelay $0x1  }
0xef: {  	[tilespmem:s25+$0xD130] =	vst v7  }
0xf0: {  	v7 =	vld [tilespmem:$0xD040]  }
0xf1: {  	v5 =	vadd.f32 v5, v6;
	_ =	sdelay $0x1  }
0xf2: {  	v5 =	vadd.f32 v17, v5;
	_ =	sdelay $0x1  }
0xf3: {  	v5 =	vadd.f32 v7, v5;
	_ =	sdelay $0x1  }
0xf4: {  	v6 =	vsub.f32 $0.0e+00, v5;
	_ =	sdelay $0x1  }
0xf5: {  	v6 =	vmul.f32 $1.442695020e+00, v6;
	_ =	sdelay $0x1  }
0xf6: {  	(erf) = vpow2.f32 v6;
	_ =	sdelay $0x8  }
0xf7: {  	v6 =	vpop (erf)  }
0xf8: {  	v6 =	vadd.f32 $1.000000000e+00, v6;
	_ =	sdelay $0x1  }
0xf9: {  	(erf) = vrcp.f32 v6;
	_ =	sdelay $0x8  }
0xfa: {  	v6 =	vpop (erf)  }
0xfb: {  	v5 =	vmul.f32 v6, v5;
	_ =	sdelay $0x1  }
0xfc: {  	[tilespmem:s25+$0xD140] =	vst v5  }
0xfd: {  	v5 =	vld [tilespmem:$0xD050]  }
0xfe: {  	v3 =	vadd.f32 v4, v3;
	_ =	sdelay $0x1  }
0xff: {  	v3 =	vadd.f32 v19, v3;
	_ =	sdelay $0x1  }
0x100: {  	v3 =	vadd.f32 v5, v3;
	_ =	sdelay $0x1  }
0x101: {  	v4 =	vsub.f32 $0.0e+00, v3;
	_ =	sdelay $0x1  }
0x102: {  	v4 =	vmul.f32 $1.442695020e+00, v4;
	_ =	sdelay $0x1  }
0x103: {  	(erf) = vpow2.f32 v4;
	_ =	sdelay $0x8  }
0x104: {  	v4 =	vpop (erf)  }
0x105: {  	v4 =	vadd.f32 $1.000000000e+00, v4;
	_ =	sdelay $0x1  }
0x106: {  	(erf) = vrcp.f32 v4;
	_ =	sdelay $0x8  }
0x107: {  	v4 =	vpop (erf)  }
0x108: {  	v3 =	vmul.f32 v4, v3;
	_ =	sdelay $0x1  }
0x109: {  	[tilespmem:s25+$0xD150] =	vst v3  }
0x10a: {  	v3 =	vld [tilespmem:$0xD060]  }
0x10b: {  	v1 =	vadd.f32 v2, v1;
	_ =	sdelay $0x1  }
0x10c: {  	v1 =	vadd.f32 v63, v1;
	_ =	sdelay $0x1  }
0x10d: {  	v1 =	vadd.f32 v3, v1;
	_ =	sdelay $0x1  }
0x10e: {  	v2 =	vsub.f32 $0.0e+00, v1;
	_ =	sdelay $0x1  }
0x10f: {  	v2 =	vmul.f32 $1.442695020e+00, v2;
	_ =	sdelay $0x1  }
0x110: {  	(erf) = vpow2.f32 v2;
	_ =	sdelay $0x8  }
0x111: {  	v2 =	vpop (erf)  }
0x112: {  	v2 =	vadd.f32 $1.000000000e+00, v2;
	_ =	sdelay $0x1  }
0x113: {  	(erf) = vrcp.f32 v2;
	_ =	sdelay $0x8  }
0x114: {  	v2 =	vpop (erf)  }
0x115: {  	v1 =	vmul.f32 v2, v1;
	_ =	sdelay $0x1  }
0x116: {  	[tilespmem:s25+$0xD160] =	vst v1  }
0x117: {  	v1 =	vld [tilespmem:$0xD070];
	_ =	sdelay $0x2  }
0x118: {  	v0 =	vadd.f32 v13, v0;
	_ =	sdelay $0x1  }
0x119: {  	v0 =	vadd.f32 v1, v0;
	_ =	sdelay $0x1  }
0x11a: {  	v1 =	vsub.f32 $0.0e+00, v0;
	_ =	sdelay $0x1  }
0x11b: {  	v1 =	vmul.f32 $1.442695020e+00, v1;
	_ =	sdelay $0x1  }
0x11c: {  	(erf) = vpow2.f32 v1;
	_ =	sdelay $0x8  }
0x11d: {  	v1 =	vpop (erf)  }
0x11e: {  	v1 =	vadd.f32 $1.000000000e+00, v1;
	_ =	sdelay $0x1  }
0x11f: {  	(erf) = vrcp.f32 v1;
	_ =	sdelay $0x8  }
0x120: {  	v1 =	vpop (erf)  }
0x121: {  	v0 =	vmul.f32 v1, v0;
	_ =	sdelay $0x1  }
0x122: {  	s29 =	simm.s32 @!p0 $0x60;
	s30 =	simm.s32 @!p0 $0x4000;
	s28 =	sadd.s32 @!p0 $0x280, s26;
	[tilespmem:s25+$0xD170] =	vst v0  }
0x123: {  	[tilespmem:s30], [sflag:$0x2] =	stream.indirect.gather @!p0 [hbm4b:s4+s29], $0x80, s28, s29, $0xb8;
	[tilespmem:$0xE080] =	vst v63  }
0x124: {  	_ =	swait.ge [sflag:s20], $0x3000  }
0x125: {  	[sflag:s20] =	ssyncset.done $0x0  }
0x126: {  	s31 =	simm.s32 $0x0;
	[sflag:s20] =	ssyncadd.s32 $0xFFFFD000  }
0x127: {  	v0 =	vld [tilespmem:s31+$0x7070]  }
0x128: {  	v1 =	vld [tilespmem:s31+$0x7000]  }
0x129: {  	v2 =	vld [tilespmem:s31+$0x7010]  }
0x12a: {  	v10 =	vld [tilespmem:s31+$0x7020]  }
0x12b: {  	v8 =	vld [tilespmem:s31+$0x7030]  }
0x12c: {  	v9 =	vimm.f32 $0.0e+00;
	v7 =	vimm.f32 $0.0e+00;
	v5 =	vld [tilespmem:s31+$0x7040]  }
0x12d: {  	v6 =	vimm.f32 $0.0e+00;
	v3 =	vimm.f32 $0.0e+00;
	v4 =	vld [tilespmem:s31+$0x7050];
	v0 =	vadd.f32 v0, v9  }
0x12e: {  	s28 =	simm.s32 $0x80;
	s29 =	simm.s32 $0x400;
	v12 =	vadd.f32 v1, v9;
	v11 =	vadd.f32 v2, v9;
	v2 =	vld [tilespmem:s31+$0x7060];
	v1 =	vimm.f32 $0.0e+00  }
.LBB2_7:
0x12f: {  	p1 =	sne.s32 s29, $0xBE00;
	v13 =	vld [tilespmem:s28+$0x7070];
	v9 =	vadd.f32 v10, v9  }
0x130: {  	v14 =	vld [tilespmem:s28+$0x7000];
	v7 =	vadd.f32 v8, v7  }
0x131: {  	v15 =	vld [tilespmem:s28+$0x7010];
	v6 =	vadd.f32 v5, v6  }
.Ltmp4:
0x132: {  	v10 =	vld [tilespmem:s28+$0x7020];
	v3 =	vadd.f32 v4, v3;
	(pc) =	sbr.rel @p1 .LBB2_7-.Ltmp4, $4  }
0x133: {  	v8 =	vld [tilespmem:s28+$0x7030];
	v1 =	vadd.f32 v2, v1  }
0x134: {  	v5 =	vld [tilespmem:s28+$0x7040];
	v0 =	vadd.f32 v13, v0  }
0x135: {  	v12 =	vadd.f32 v14, v12;
	v4 =	vld [tilespmem:s28+$0x7050]  }
0x136: {  	v11 =	vadd.f32 v15, v11;
	v2 =	vld [tilespmem:s28+$0x7060];
	s28 =	sshra.s32 s29, $0x2;
	s29 =	sadd.s32 $0x200, s29  }
0x137: {  	v13 =	vld [tilespmem:s28+$0x7000];
	_ =	sdelay $0x1  }
0x138: {  	v14 =	vld [tilespmem:$0xD000];
	_ =	sdelay $0x2  }
0x139: {  	v12 =	vadd.f32 v13, v12;
	_ =	sdelay $0x1  }
0x13a: {  	v12 =	vadd.f32 v14, v12;
	_ =	sdelay $0x1  }
0x13b: {  	v13 =	vsub.f32 $0.0e+00, v12;
	_ =	sdelay $0x1  }
0x13c: {  	v13 =	vmul.f32 $1.442695020e+00, v13;
	_ =	sdelay $0x1  }
0x13d: {  	(erf) = vpow2.f32 v13;
	_ =	sdelay $0x8  }
0x13e: {  	v13 =	vpop (erf)  }
0x13f: {  	v13 =	vadd.f32 $1.000000000e+00, v13;
	_ =	sdelay $0x1  }
0x140: {  	(erf) = vrcp.f32 v13;
	_ =	sdelay $0x5  }
0x141: {  	v15 =	vld [tilespmem:s28+$0x7020]  }
0x142: {  	v16 =	vld [tilespmem:s28+$0x7030]  }
0x143: {  	v17 =	vld [tilespmem:s28+$0x7040]  }
0x144: {  	v19 =	vld [tilespmem:s28+$0x7050];
	v18 =	vpop (erf)  }
0x145: {  	v63 =	vld [tilespmem:s28+$0x7060];
	v12 =	vmul.f32 v18, v12  }
0x146: {  	v14 =	vld [tilespmem:s28+$0x7010]  }
0x147: {  	v13 =	vld [tilespmem:s28+$0x7070];
	[tilespmem:s25+$0xD180] =	vst v12  }
0x148: {  	v12 =	vld [tilespmem:$0xD010];
	_ =	sdelay $0x2  }
0x149: {  	v11 =	vadd.f32 v14, v11;
	_ =	sdelay $0x1  }
0x14a: {  	v11 =	vadd.f32 v12, v11;
	_ =	sdelay $0x1  }
0x14b: {  	v12 =	vsub.f32 $0.0e+00, v11;
	_ =	sdelay $0x1  }
0x14c: {  	v12 =	vmul.f32 $1.442695020e+00, v12;
	_ =	sdelay $0x1  }
0x14d: {  	(erf) = vpow2.f32 v12;
	_ =	sdelay $0x8  }
0x14e: {  	v12 =	vpop (erf)  }
0x14f: {  	v12 =	vadd.f32 $1.000000000e+00, v12;
	_ =	sdelay $0x1  }
0x150: {  	(erf) = vrcp.f32 v12;
	_ =	sdelay $0x8  }
0x151: {  	v12 =	vpop (erf)  }
0x152: {  	v11 =	vmul.f32 v12, v11;
	_ =	sdelay $0x1  }
0x153: {  	[tilespmem:s25+$0xD190] =	vst v11  }
0x154: {  	v11 =	vld [tilespmem:$0xD020]  }
0x155: {  	v9 =	vadd.f32 v10, v9;
	_ =	sdelay $0x1  }
0x156: {  	v9 =	vadd.f32 v15, v9;
	_ =	sdelay $0x1  }
0x157: {  	v9 =	vadd.f32 v11, v9;
	_ =	sdelay $0x1  }
0x158: {  	v10 =	vsub.f32 $0.0e+00, v9;
	_ =	sdelay $0x1  }
0x159: {  	v10 =	vmul.f32 $1.442695020e+00, v10;
	_ =	sdelay $0x1  }
0x15a: {  	(erf) = vpow2.f32 v10;
	_ =	sdelay $0x8  }
0x15b: {  	v10 =	vpop (erf)  }
0x15c: {  	v10 =	vadd.f32 $1.000000000e+00, v10;
	_ =	sdelay $0x1  }
0x15d: {  	(erf) = vrcp.f32 v10;
	_ =	sdelay $0x8  }
0x15e: {  	v10 =	vpop (erf)  }
0x15f: {  	v9 =	vmul.f32 v10, v9;
	_ =	sdelay $0x1  }
0x160: {  	[tilespmem:s25+$0xD1A0] =	vst v9  }
0x161: {  	v9 =	vld [tilespmem:$0xD030]  }
0x162: {  	v7 =	vadd.f32 v8, v7;
	_ =	sdelay $0x1  }
0x163: {  	v7 =	vadd.f32 v16, v7;
	_ =	sdelay $0x1  }
0x164: {  	v7 =	vadd.f32 v9, v7;
	_ =	sdelay $0x1  }
0x165: {  	v8 =	vsub.f32 $0.0e+00, v7;
	_ =	sdelay $0x1  }
0x166: {  	v8 =	vmul.f32 $1.442695020e+00, v8;
	_ =	sdelay $0x1  }
0x167: {  	(erf) = vpow2.f32 v8;
	_ =	sdelay $0x8  }
0x168: {  	v8 =	vpop (erf)  }
0x169: {  	v8 =	vadd.f32 $1.000000000e+00, v8;
	_ =	sdelay $0x1  }
0x16a: {  	(erf) = vrcp.f32 v8;
	_ =	sdelay $0x8  }
0x16b: {  	v8 =	vpop (erf)  }
0x16c: {  	v7 =	vmul.f32 v8, v7;
	_ =	sdelay $0x1  }
0x16d: {  	[tilespmem:s25+$0xD1B0] =	vst v7  }
0x16e: {  	v7 =	vld [tilespmem:$0xD040]  }
0x16f: {  	v5 =	vadd.f32 v5, v6;
	_ =	sdelay $0x1  }
0x170: {  	v5 =	vadd.f32 v17, v5;
	_ =	sdelay $0x1  }
0x171: {  	v5 =	vadd.f32 v7, v5;
	_ =	sdelay $0x1  }
0x172: {  	v6 =	vsub.f32 $0.0e+00, v5;
	_ =	sdelay $0x1  }
0x173: {  	v6 =	vmul.f32 $1.442695020e+00, v6;
	_ =	sdelay $0x1  }
0x174: {  	(erf) = vpow2.f32 v6;
	_ =	sdelay $0x8  }
0x175: {  	v6 =	vpop (erf)  }
0x176: {  	v6 =	vadd.f32 $1.000000000e+00, v6;
	_ =	sdelay $0x1  }
0x177: {  	(erf) = vrcp.f32 v6;
	_ =	sdelay $0x8  }
0x178: {  	v6 =	vpop (erf)  }
0x179: {  	v5 =	vmul.f32 v6, v5;
	_ =	sdelay $0x1  }
0x17a: {  	[tilespmem:s25+$0xD1C0] =	vst v5  }
0x17b: {  	v5 =	vld [tilespmem:$0xD050]  }
0x17c: {  	v3 =	vadd.f32 v4, v3;
	_ =	sdelay $0x1  }
0x17d: {  	v3 =	vadd.f32 v19, v3;
	_ =	sdelay $0x1  }
0x17e: {  	v3 =	vadd.f32 v5, v3;
	_ =	sdelay $0x1  }
0x17f: {  	v4 =	vsub.f32 $0.0e+00, v3;
	_ =	sdelay $0x1  }
0x180: {  	v4 =	vmul.f32 $1.442695020e+00, v4;
	_ =	sdelay $0x1  }
0x181: {  	(erf) = vpow2.f32 v4;
	_ =	sdelay $0x8  }
0x182: {  	v4 =	vpop (erf)  }
0x183: {  	v4 =	vadd.f32 $1.000000000e+00, v4;
	_ =	sdelay $0x1  }
0x184: {  	(erf) = vrcp.f32 v4;
	_ =	sdelay $0x8  }
0x185: {  	v4 =	vpop (erf)  }
0x186: {  	v3 =	vmul.f32 v4, v3;
	_ =	sdelay $0x1  }
0x187: {  	[tilespmem:s25+$0xD1D0] =	vst v3  }
0x188: {  	v3 =	vld [tilespmem:$0xD060]  }
0x189: {  	v1 =	vadd.f32 v2, v1;
	_ =	sdelay $0x1  }
0x18a: {  	v1 =	vadd.f32 v63, v1;
	_ =	sdelay $0x1  }
0x18b: {  	v1 =	vadd.f32 v3, v1;
	_ =	sdelay $0x1  }
0x18c: {  	v2 =	vsub.f32 $0.0e+00, v1;
	_ =	sdelay $0x1  }
0x18d: {  	v2 =	vmul.f32 $1.442695020e+00, v2;
	_ =	sdelay $0x1  }
0x18e: {  	(erf) = vpow2.f32 v2;
	_ =	sdelay $0x8  }
0x18f: {  	v2 =	vpop (erf)  }
0x190: {  	v2 =	vadd.f32 $1.000000000e+00, v2;
	_ =	sdelay $0x1  }
0x191: {  	(erf) = vrcp.f32 v2;
	_ =	sdelay $0x8  }
0x192: {  	v2 =	vpop (erf)  }
0x193: {  	v1 =	vmul.f32 v2, v1;
	_ =	sdelay $0x1  }
0x194: {  	[tilespmem:s25+$0xD1E0] =	vst v1  }
0x195: {  	v1 =	vld [tilespmem:$0xD070];
	_ =	sdelay $0x2  }
0x196: {  	v0 =	vadd.f32 v13, v0;
	_ =	sdelay $0x1  }
0x197: {  	v0 =	vadd.f32 v1, v0;
	_ =	sdelay $0x1  }
0x198: {  	v1 =	vsub.f32 $0.0e+00, v0;
	_ =	sdelay $0x1  }
0x199: {  	v1 =	vmul.f32 $1.442695020e+00, v1;
	_ =	sdelay $0x1  }
0x19a: {  	(erf) = vpow2.f32 v1;
	_ =	sdelay $0x8  }
0x19b: {  	v1 =	vpop (erf)  }
0x19c: {  	v1 =	vadd.f32 $1.000000000e+00, v1;
	_ =	sdelay $0x1  }
0x19d: {  	(erf) = vrcp.f32 v1;
	_ =	sdelay $0x8  }
0x19e: {  	v1 =	vpop (erf)  }
0x19f: {  	v0 =	vmul.f32 v1, v0;
	_ =	sdelay $0x1  }
0x1a0: {  	s26 =	sadd.s32 @!p0 $0x300, s26;
	s29 =	simm.s32 @!p0 $0x7000;
	s28 =	simm.s32 @!p0 $0x60;
	[tilespmem:s25+$0xD1F0] =	vst v0  }
0x1a1: {  	[tilespmem:s29], [sflag:$0x3] =	stream.indirect.gather @!p0 [hbm4b:s4+s28], $0x80, s26, s28, $0xb8;
	[tilespmem:$0xE080] =	vst v63  }
0x1a2: {  	_ =	swait.ge [sflag:s21], $0x3000  }
0x1a3: {  	[sflag:s21] =	ssyncset.done $0x0  }
0x1a4: {  	s31 =	simm.s32 $0x0;
	[sflag:s21] =	ssyncadd.s32 $0xFFFFD000  }
0x1a5: {  	v0 =	vld [tilespmem:s31+$0xA070]  }
0x1a6: {  	v1 =	vld [tilespmem:s31+$0xA000]  }
0x1a7: {  	v2 =	vld [tilespmem:s31+$0xA010]  }
0x1a8: {  	v10 =	vld [tilespmem:s31+$0xA020]  }
0x1a9: {  	v8 =	vld [tilespmem:s31+$0xA030]  }
0x1aa: {  	v9 =	vimm.f32 $0.0e+00;
	v7 =	vimm.f32 $0.0e+00;
	v5 =	vld [tilespmem:s31+$0xA040]  }
0x1ab: {  	v6 =	vimm.f32 $0.0e+00;
	v3 =	vimm.f32 $0.0e+00;
	v4 =	vld [tilespmem:s31+$0xA050];
	v0 =	vadd.f32 v0, v9  }
0x1ac: {  	s26 =	simm.s32 $0x80;
	s28 =	simm.s32 $0x400;
	v12 =	vadd.f32 v1, v9;
	v11 =	vadd.f32 v2, v9;
	v2 =	vld [tilespmem:s31+$0xA060];
	v1 =	vimm.f32 $0.0e+00  }
.LBB2_9:
0x1ad: {  	p1 =	sne.s32 s28, $0xBE00;
	v13 =	vld [tilespmem:s26+$0xA070];
	v9 =	vadd.f32 v10, v9  }
0x1ae: {  	v14 =	vld [tilespmem:s26+$0xA000];
	v7 =	vadd.f32 v8, v7  }
0x1af: {  	v15 =	vld [tilespmem:s26+$0xA010];
	v6 =	vadd.f32 v5, v6  }
.Ltmp5:
0x1b0: {  	v10 =	vld [tilespmem:s26+$0xA020];
	v3 =	vadd.f32 v4, v3;
	(pc) =	sbr.rel @p1 .LBB2_9-.Ltmp5, $4  }
0x1b1: {  	v8 =	vld [tilespmem:s26+$0xA030];
	v1 =	vadd.f32 v2, v1  }
0x1b2: {  	v5 =	vld [tilespmem:s26+$0xA040];
	v0 =	vadd.f32 v13, v0  }
0x1b3: {  	v12 =	vadd.f32 v14, v12;
	v4 =	vld [tilespmem:s26+$0xA050]  }
0x1b4: {  	v11 =	vadd.f32 v15, v11;
	v2 =	vld [tilespmem:s26+$0xA060];
	s26 =	sshra.s32 s28, $0x2;
	s28 =	sadd.s32 $0x200, s28  }
0x1b5: {  	v13 =	vld [tilespmem:s26+$0xA000];
	_ =	sdelay $0x1  }
0x1b6: {  	v14 =	vld [tilespmem:$0xD000];
	_ =	sdelay $0x2  }
0x1b7: {  	v12 =	vadd.f32 v13, v12;
	_ =	sdelay $0x1  }
0x1b8: {  	v12 =	vadd.f32 v14, v12;
	_ =	sdelay $0x1  }
0x1b9: {  	v55 =	vsub.f32 $0.0e+00, v12;
	_ =	sdelay $0x1  }
0x1ba: {  	v13 =	vmul.f32 $1.442695020e+00, v55;
	_ =	sdelay $0x1  }
0x1bb: {  	(erf) = vpow2.f32 v13;
	_ =	sdelay $0x8  }
0x1bc: {  	v13 =	vpop (erf)  }
0x1bd: {  	v13 =	vadd.f32 $1.000000000e+00, v13;
	_ =	sdelay $0x1  }
0x1be: {  	(erf) = vrcp.f32 v13;
	_ =	sdelay $0x5  }
0x1bf: {  	v56 =	vld [tilespmem:s26+$0xA070]  }
0x1c0: {  	v57 =	vld [tilespmem:s26+$0xA010]  }
0x1c1: {  	v15 =	vld [tilespmem:s26+$0xA020]  }
0x1c2: {  	v16 =	vld [tilespmem:s26+$0xA030];
	v18 =	vpop (erf)  }
0x1c3: {  	v17 =	vld [tilespmem:s26+$0xA040];
	v12 =	vmul.f32 v18, v12  }
0x1c4: {  	v19 =	vld [tilespmem:s26+$0xA050]  }
0x1c5: {  	v58 =	vld [tilespmem:s26+$0xA060];
	[tilespmem:s25+$0xD200] =	vst v12  }
0x1c6: {  	v12 =	vld [tilespmem:$0xD010];
	_ =	sdelay $0x2  }
0x1c7: {  	v11 =	vadd.f32 v57, v11;
	_ =	sdelay $0x1  }
0x1c8: {  	v11 =	vadd.f32 v12, v11;
	_ =	sdelay $0x1  }
0x1c9: {  	v12 =	vsub.f32 $0.0e+00, v11;
	_ =	sdelay $0x1  }
0x1ca: {  	v12 =	vmul.f32 $1.442695020e+00, v12;
	_ =	sdelay $0x1  }
0x1cb: {  	(erf) = vpow2.f32 v12;
	_ =	sdelay $0x8  }
0x1cc: {  	v12 =	vpop (erf)  }
0x1cd: {  	v12 =	vadd.f32 $1.000000000e+00, v12;
	_ =	sdelay $0x1  }
0x1ce: {  	(erf) = vrcp.f32 v12;
	_ =	sdelay $0x8  }
0x1cf: {  	v12 =	vpop (erf)  }
0x1d0: {  	v11 =	vmul.f32 v12, v11;
	_ =	sdelay $0x1  }
0x1d1: {  	[tilespmem:s25+$0xD210] =	vst v11  }
0x1d2: {  	v11 =	vld [tilespmem:$0xD020]  }
0x1d3: {  	v9 =	vadd.f32 v10, v9;
	_ =	sdelay $0x1  }
0x1d4: {  	v9 =	vadd.f32 v15, v9;
	_ =	sdelay $0x1  }
0x1d5: {  	v9 =	vadd.f32 v11, v9;
	_ =	sdelay $0x1  }
0x1d6: {  	v59 =	vsub.f32 $0.0e+00, v9;
	_ =	sdelay $0x1  }
0x1d7: {  	v10 =	vmul.f32 $1.442695020e+00, v59;
	_ =	sdelay $0x1  }
0x1d8: {  	(erf) = vpow2.f32 v10;
	_ =	sdelay $0x8  }
0x1d9: {  	v10 =	vpop (erf)  }
0x1da: {  	v10 =	vadd.f32 $1.000000000e+00, v10;
	_ =	sdelay $0x1  }
0x1db: {  	(erf) = vrcp.f32 v10;
	_ =	sdelay $0x8  }
0x1dc: {  	v10 =	vpop (erf)  }
0x1dd: {  	v9 =	vmul.f32 v10, v9;
	_ =	sdelay $0x1  }
0x1de: {  	[tilespmem:s25+$0xD220] =	vst v9  }
0x1df: {  	v9 =	vld [tilespmem:$0xD030]  }
0x1e0: {  	v7 =	vadd.f32 v8, v7;
	_ =	sdelay $0x1  }
0x1e1: {  	v7 =	vadd.f32 v16, v7;
	_ =	sdelay $0x1  }
0x1e2: {  	v7 =	vadd.f32 v9, v7;
	_ =	sdelay $0x1  }
0x1e3: {  	v60 =	vsub.f32 $0.0e+00, v7;
	_ =	sdelay $0x1  }
0x1e4: {  	v8 =	vmul.f32 $1.442695020e+00, v60;
	_ =	sdelay $0x1  }
0x1e5: {  	(erf) = vpow2.f32 v8;
	_ =	sdelay $0x8  }
0x1e6: {  	v8 =	vpop (erf)  }
0x1e7: {  	v8 =	vadd.f32 $1.000000000e+00, v8;
	_ =	sdelay $0x1  }
0x1e8: {  	(erf) = vrcp.f32 v8;
	_ =	sdelay $0x8  }
0x1e9: {  	v8 =	vpop (erf)  }
0x1ea: {  	v7 =	vmul.f32 v8, v7;
	_ =	sdelay $0x1  }
0x1eb: {  	[tilespmem:s25+$0xD230] =	vst v7  }
0x1ec: {  	v7 =	vld [tilespmem:$0xD040]  }
0x1ed: {  	v5 =	vadd.f32 v5, v6;
	_ =	sdelay $0x1  }
0x1ee: {  	v5 =	vadd.f32 v17, v5;
	_ =	sdelay $0x1  }
0x1ef: {  	v5 =	vadd.f32 v7, v5;
	_ =	sdelay $0x1  }
0x1f0: {  	v61 =	vsub.f32 $0.0e+00, v5;
	_ =	sdelay $0x1  }
0x1f1: {  	v6 =	vmul.f32 $1.442695020e+00, v61;
	_ =	sdelay $0x1  }
0x1f2: {  	(erf) = vpow2.f32 v6;
	_ =	sdelay $0x8  }
0x1f3: {  	v6 =	vpop (erf)  }
0x1f4: {  	v6 =	vadd.f32 $1.000000000e+00, v6;
	_ =	sdelay $0x1  }
0x1f5: {  	(erf) = vrcp.f32 v6;
	_ =	sdelay $0x8  }
0x1f6: {  	v6 =	vpop (erf)  }
0x1f7: {  	v5 =	vmul.f32 v6, v5;
	_ =	sdelay $0x1  }
0x1f8: {  	[tilespmem:s25+$0xD240] =	vst v5  }
0x1f9: {  	v5 =	vld [tilespmem:$0xD050]  }
0x1fa: {  	v3 =	vadd.f32 v4, v3;
	_ =	sdelay $0x1  }
0x1fb: {  	v3 =	vadd.f32 v19, v3;
	_ =	sdelay $0x1  }
0x1fc: {  	v3 =	vadd.f32 v5, v3;
	_ =	sdelay $0x1  }
0x1fd: {  	v62 =	vsub.f32 $0.0e+00, v3;
	_ =	sdelay $0x1  }
0x1fe: {  	v4 =	vmul.f32 $1.442695020e+00, v62;
	_ =	sdelay $0x1  }
0x1ff: {  	(erf) = vpow2.f32 v4;
	_ =	sdelay $0x8  }
0x200: {  	v4 =	vpop (erf)  }
0x201: {  	v4 =	vadd.f32 $1.000000000e+00, v4;
	_ =	sdelay $0x1  }
0x202: {  	(erf) = vrcp.f32 v4;
	_ =	sdelay $0x8  }
0x203: {  	v4 =	vpop (erf)  }
0x204: {  	v3 =	vmul.f32 v4, v3;
	_ =	sdelay $0x1  }
0x205: {  	[tilespmem:s25+$0xD250] =	vst v3  }
0x206: {  	v3 =	vld [tilespmem:$0xD060]  }
0x207: {  	v1 =	vadd.f32 v2, v1;
	_ =	sdelay $0x1  }
0x208: {  	v1 =	vadd.f32 v58, v1;
	_ =	sdelay $0x1  }
0x209: {  	v1 =	vadd.f32 v3, v1;
	_ =	sdelay $0x1  }
0x20a: {  	v63 =	vsub.f32 $0.0e+00, v1;
	_ =	sdelay $0x1  }
0x20b: {  	v2 =	vmul.f32 $1.442695020e+00, v63;
	_ =	sdelay $0x1  }
0x20c: {  	(erf) = vpow2.f32 v2;
	_ =	sdelay $0x8  }
0x20d: {  	v2 =	vpop (erf)  }
0x20e: {  	v2 =	vadd.f32 $1.000000000e+00, v2;
	_ =	sdelay $0x1  }
0x20f: {  	(erf) = vrcp.f32 v2;
	_ =	sdelay $0x8  }
0x210: {  	v2 =	vpop (erf)  }
0x211: {  	v1 =	vmul.f32 v2, v1;
	_ =	sdelay $0x1  }
0x212: {  	[tilespmem:s25+$0xD260] =	vst v1  }
0x213: {  	v1 =	vld [tilespmem:$0xD070];
	_ =	sdelay $0x2  }
0x214: {  	v0 =	vadd.f32 v56, v0;
	_ =	sdelay $0x1  }
0x215: {  	v0 =	vadd.f32 v1, v0;
	_ =	sdelay $0x1  }
0x216: {  	v1 =	vsub.f32 $0.0e+00, v0;
	_ =	sdelay $0x1  }
0x217: {  	v1 =	vmul.f32 $1.442695020e+00, v1;
	_ =	sdelay $0x1  }
0x218: {  	(erf) = vpow2.f32 v1;
	_ =	sdelay $0x8  }
0x219: {  	v1 =	vpop (erf)  }
0x21a: {  	v1 =	vadd.f32 $1.000000000e+00, v1;
	_ =	sdelay $0x1  }
0x21b: {  	(erf) = vrcp.f32 v1;
	_ =	sdelay $0x7  }
.Ltmp6:
0x21c: {  	_ = 	snop;
	(pc) =	sbr.rel @p0 .LBB2_12-.Ltmp6, $3  }
0x21d: {  	v1 =	vpop (erf)  }
0x21e: {  	v0 =	vmul.f32 v1, v0;
	_ =	sdelay $0x1  }
0x21f: {  	[tilespmem:s25+$0xD270] =	vst v0  }
.Ltmp7:
0x220: {  	(pc) =	sbr.rel .LBB2_2-.Ltmp7, $3  }
0x221: {  	_ =	sdelay $0x1  }
0x222: {  	s25 =	sadd.s32 $0x380, s25;
	s24 =	sadd.s32 $0x1, s24  }
0x223: {  	[tilespmem:s17], [sflag:$0x4] =	stream.indirect.gather [hbm4b:s4+s10], $0x80, s25, s10, $0xb8;
	[tilespmem:$0xE080] =	vst v63  }
.LBB2_13:
0x224: {  	_ =	sfence.sel $0x180000  }
0x225: {  	[bflag:$0x0] =	sbarrier.arrive $0xFFFF  }
0x226: {  	p0 =	sne.s32 s1, $0x0;
	_ =	strace $0x90000047  }
0x227: {  	s0 =	sadd.s32 @!p0 $0x100000, s0;
	[bflag:$0x2] =	sbarrier.arrive $0xFFFF  }
0x228: {  	[sflag:s0] =	ssyncadd.tile.s32 @!p0 $0x1;
	_ =	shalt  }
.Lfunc_end2:
_tile_overlayer_lowered:
.L_overlay_start_2:
0x229: {  	(tag) =	ssettag $0x2  }
0x22a: {  	s0 =	rddreg [dreg:$0x0];
	s2 =	stileid.u32  }
0x22b: {  	s1 =	rddreg [dreg:$0x1];
	p0 =	sne.s32 s2, $0x0  }
0x22c: {  	s3 =	rddreg [dreg:$0x2];
	[bflag:$0x3] =	sbarrier.arrive $0xFFFF;
	s2 =	simm.s32 @!p0 $0x1C05  }
0x22d: {  	[timem:s3], [sflag:s2] =	dma.local @!p0 [hbm:s0], s1  }
0x22e: {  	s0 =	simm.s32 @!p0 $0x5  }
0x22f: {  	_ =	swait.ge @!p0 [sflag:s0], s1  }
0x230: {  	s1 =	ssub.s32 @!p0 $0x0, s1;
	[sflag:s0] =	ssyncset.done @!p0 $0x0  }
0x231: {  	[sflag:s0] =	ssyncadd.s32 @!p0 s1  }
0x232: {  	[bflag:$0x3] =	sbarrier.arrive $0xFFFF  }
0x233: {  	_ =	shalt  }

</sc_bundles>
